<compile_context>
chip_gen: v7x
topology: tpu7x:2x2x1
jax: 0.10.2.dev20260603
libtpu: 0.0.44.dev20260713+nightly
codegen_flags: <defaults>
</compile_context>

<pallas_src>
import functools

import jax
import jax.numpy as jnp
from jax import lax
from jax.experimental import pallas as pl
from jax.experimental.pallas import tpu as pltpu
from jax.experimental.pallas import tpu_sc as plsc

LATENT = 128
E_CHUNK = 1280
N_STREAM = 10
IDX_W = 128
ROW_W = 8
NC = 2
NS = 16
NW = NC * NS
STRIPE = 6250
N_PAD = STRIPE * NS


def _sc_scatter_partials(recv, planes, zrows):
    E = planes.shape[0] * IDX_W
    G = E // E_CHUNK
    SPC = E_CHUNK // IDX_W
    mesh = plsc.VectorSubcoreMesh(core_axis_name="c", subcore_axis_name="s")

    @functools.partial(
        pl.kernel,
        out_type=jax.ShapeDtypeStruct((NC, N_PAD, ROW_W), jnp.float32),
        mesh=mesh,
        scratch_types=[
            pltpu.VMEM_SHARED((N_PAD, ROW_W), jnp.float32),
            pltpu.VMEM((4, E_CHUNK), jnp.int32),
            pltpu.VMEM((2, SPC, ROW_W, IDX_W), jnp.float32),
            pltpu.VMEM((2 * E_CHUNK, ROW_W), jnp.float32),
            pltpu.SemaphoreType.DMA,
            pltpu.SemaphoreType.DMA,
        ],
        compiler_params=pltpu.CompilerParams(
            use_tc_tiling_on_sc=False, needs_layout_passes=False),
    )
    def k(recv_hbm, pl_hbm, z_hbm, p_hbm, acc, idx_v, slab_v, comb_v,
          sem_in, sem_sc):
        c = lax.axis_index("c")
        s = lax.axis_index("s")
        tid = s * NC + c

        pltpu.sync_copy(z_hbm, acc.at[pl.ds(s * STRIPE, STRIPE), :])
        plsc.subcore_barrier()

        n_k = (G - tid + NW - 1) // NW

        lanes = lax.iota(jnp.int32, 16)
        rowc = [j8 * 16 + lanes for j8 in range(IDX_W // 16)]

        def stage(k_i):
            g = tid + k_i * NW
            b = lax.rem(k_i, 2)
            ib = lax.rem(k_i, 4)
            pltpu.make_async_copy(
                recv_hbm.at[pl.ds(g * E_CHUNK, E_CHUNK)], idx_v.at[ib],
                sem_in).start()
            pltpu.make_async_copy(
                pl_hbm.at[pl.ds(g * SPC, SPC), :, :], slab_v.at[b],
                sem_in).start()

        stage(0)

        def body(k_i, carry):
            b = lax.rem(k_i, 2)
            ib = lax.rem(k_i, 4)
            pltpu.make_async_copy(
                recv_hbm.at[pl.ds(0, E_CHUNK)], idx_v.at[ib], sem_in).wait()
            pltpu.make_async_copy(
                pl_hbm.at[pl.ds(0, SPC), :, :], slab_v.at[b], sem_in).wait()

            @pl.when(k_i >= 2)
            def _():
                for j in range(N_STREAM):
                    pltpu.make_async_copy(
                        comb_v.at[pl.ds(j * IDX_W, IDX_W), :],
                        acc.at[idx_v.at[ib, pl.ds(j * IDX_W, IDX_W)]],
                        sem_sc).wait()

            @pl.when(k_i + 1 < n_k)
            def _():
                stage(k_i + 1)

            cbase = b * E_CHUNK

            def ileave(v, carry2):
                m_rel = v >> 3
                comp = v & 7
                cs = jnp.full((16,), comp, jnp.int32)
                base = cbase + m_rel * IDX_W
                for j8 in range(IDX_W // 16):
                    val = slab_v[b, m_rel, comp, pl.ds(j8 * 16, 16)]
                    plsc.store_scatter(comb_v, [base + rowc[j8], cs], val)
                return carry2

            lax.fori_loop(0, SPC * ROW_W, ileave, 0, unroll=False)

            for j in range(N_STREAM):
                pltpu.async_copy(
                    comb_v.at[pl.ds(cbase + j * IDX_W, IDX_W), :],
                    acc.at[idx_v.at[ib, pl.ds(j * IDX_W, IDX_W)]],
                    sem_sc, add=True)
            return carry

        lax.fori_loop(0, n_k, body, 0, unroll=False)

        def drain(d, carry):
            for j in range(N_STREAM):
                pltpu.make_async_copy(
                    comb_v.at[pl.ds(j * IDX_W, IDX_W), :],
                    acc.at[idx_v.at[0, pl.ds(j * IDX_W, IDX_W)]],
                    sem_sc).wait()
            return carry

        lax.fori_loop(0, jnp.minimum(n_k, 2), drain, 0, unroll=False)
        plsc.subcore_barrier()

        pltpu.sync_copy(acc.at[pl.ds(s * STRIPE, STRIPE), :],
                        p_hbm.at[c, pl.ds(s * STRIPE, STRIPE), :])

    return k(recv, planes, zrows)


def _mlp_body(x_r, w1_r, b1_r, wm2_r, bm2_r, wi2_r, bi2_r, wd2_r, bd2_r,
              mid_r):
    x = x_r[...]
    h = jnp.maximum(
        jnp.dot(x, w1_r[...], preferred_element_type=jnp.float32) + b1_r[...],
        0.0)
    m = jnp.dot(h[:, :LATENT], wm2_r[...],
                preferred_element_type=jnp.float32) + bm2_r[...]
    i = jnp.dot(h[:, LATENT:2 * LATENT], wi2_r[...],
                preferred_element_type=jnp.float32) + bi2_r[...]
    d = jnp.dot(h[:, 2 * LATENT:], wd2_r[...],
                preferred_element_type=jnp.float32) + bd2_r[...]
    mid_r[...] = jnp.concatenate([m, i, d], axis=1)


def _tc_mlp(x, w1c, b1c, wm2, bm2, wi2, bi2, wd2, bd2):
    n = x.shape[0]
    blk = 4000
    grid = n // blk
    full = lambda shape: pl.BlockSpec(shape, lambda i: (0, 0))
    row = lambda w: pl.BlockSpec((blk, w), lambda i: (i, 0))
    return pl.pallas_call(
        _mlp_body,
        grid=(grid,),
        in_specs=[
            row(LATENT),
            full((LATENT, 3 * LATENT)),
            full((1, 3 * LATENT)),
            full((LATENT, 1)),
            full((1, 1)),
            full((LATENT, 1)),
            full((1, 1)),
            full((LATENT, 3)),
            full((1, 3)),
        ],
        out_specs=row(5),
        out_shape=jax.ShapeDtypeStruct((n, 5), jnp.float32),
    )(x, w1c, b1c, wm2, bm2, wi2, bi2, wd2, bd2)


def _combine_body(mid_r, p_r, dv_r, dw_r):
    mid = mid_r[...]
    p = p_r[0] + p_r[1]
    f = p[:, 0:3]
    t = p[:, 4:7]
    dv_r[...] = mid[:, 0:1] * f + mid[:, 2:5]
    dw_r[...] = mid[:, 1:2] * t


def _combine(mid, p):
    n = mid.shape[0]
    blk = 4000
    grid = n // blk
    row = lambda w: pl.BlockSpec((blk, w), lambda i: (i, 0))
    return pl.pallas_call(
        _combine_body,
        grid=(grid,),
        in_specs=[
            row(5),
            pl.BlockSpec((NC, blk, ROW_W), lambda i: (0, i, 0)),
        ],
        out_specs=[row(3), row(3)],
        out_shape=[
            jax.ShapeDtypeStruct((n, 3), jnp.float32),
            jax.ShapeDtypeStruct((n, 3), jnp.float32),
        ],
    )(mid, p)


def kernel(edge_index, node_latent, fij, tij, Wm1, bm1, Wm2, bm2,
           Wi1, bi1, Wi2, bi2, Wd1, bd1, Wd2, bd2):
    n = node_latent.shape[0]
    e = fij.shape[0]
    recv = edge_index[1].astype(jnp.int32)
    zrows = jnp.zeros((STRIPE, ROW_W), jnp.float32)

    z1 = jnp.zeros((e, 1), jnp.float32)
    packed = jnp.concatenate([fij, z1, tij, z1], axis=1)
    planes = jnp.transpose(packed.reshape(e // IDX_W, IDX_W, ROW_W),
                           (0, 2, 1))
    p = _sc_scatter_partials(recv, planes, zrows)

    w1c = jnp.concatenate([Wm1, Wi1, Wd1], axis=1)
    b1c = jnp.concatenate([bm1, bi1, bd1]).reshape(1, 3 * LATENT)
    mid = _tc_mlp(
        node_latent, w1c, b1c,
        Wm2, bm2.reshape(1, 1), Wi2, bi2.reshape(1, 1),
        Wd2, bd2.reshape(1, 3))
    dv, dw = _combine(mid, p)
    return (dv, dw)

# --- scband reference (transcript-rebuilt; emitter-appended) ---
"""Pipeline reference for scband-node-internal-dv-decoder-51522427683090 (READ-ONLY COPY).

The authoritative reference and input builder live on the scoring server;
editing this copy changes nothing except your own understanding.
"""

import jax, jax.numpy as jnp
import numpy as np

LATENT = 128
N_NODES = 100000
N_EDGES = 3200000


def _mlp(x, W1, b1, W2, b2):
    # build_mlp_d(latent, latent, out, num_layers=2, lay_norm=False):
    # Linear(latent->latent) -> ReLU -> Linear(latent->out)
    h = jnp.maximum(x @ W1 + b1, 0.0)
    return h @ W2 + b2


def setup_inputs(seed: int = 0) -> dict:
    key = jax.random.key(seed)
    ks = [jax.random.fold_in(key, i) for i in range(20)]
    inp = {}
    inp["edge_index"] = jax.random.randint(ks[0], (2, N_EDGES), 0, N_NODES, dtype=jnp.int64)
    inp["node_latent"] = jax.random.normal(ks[1], (N_NODES, LATENT), dtype=jnp.float32)
    inp["fij"] = jax.random.normal(ks[2], (N_EDGES, 3), dtype=jnp.float32)
    inp["tij"] = jax.random.normal(ks[3], (N_EDGES, 3), dtype=jnp.float32)
    s = 1.0 / np.sqrt(LATENT)
    # m_inv_decoder params (out=1)
    inp["Wm1"] = jax.random.uniform(ks[4], (LATENT, LATENT), jnp.float32, -s, s)
    inp["bm1"] = jax.random.uniform(ks[5], (LATENT,), jnp.float32, -s, s)
    inp["Wm2"] = jax.random.uniform(ks[6], (LATENT, 1), jnp.float32, -s, s)
    inp["bm2"] = jax.random.uniform(ks[7], (1,), jnp.float32, -s, s)
    # i_inv_decoder params (out=1)
    inp["Wi1"] = jax.random.uniform(ks[8], (LATENT, LATENT), jnp.float32, -s, s)
    inp["bi1"] = jax.random.uniform(ks[9], (LATENT,), jnp.float32, -s, s)
    inp["Wi2"] = jax.random.uniform(ks[10], (LATENT, 1), jnp.float32, -s, s)
    inp["bi2"] = jax.random.uniform(ks[11], (1,), jnp.float32, -s, s)
    # dv_ext_decoder params (out=3)
    inp["Wd1"] = jax.random.uniform(ks[12], (LATENT, LATENT), jnp.float32, -s, s)
    inp["bd1"] = jax.random.uniform(ks[13], (LATENT,), jnp.float32, -s, s)
    inp["Wd2"] = jax.random.uniform(ks[14], (LATENT, 3), jnp.float32, -s, s)
    inp["bd2"] = jax.random.uniform(ks[15], (3,), jnp.float32, -s, s)
    return inp


def reference(edge_index, node_latent, fij, tij,
              Wm1, bm1, Wm2, bm2,
              Wi1, bi1, Wi2, bi2,
              Wd1, bd1, Wd2, bd2):
    senders = edge_index[0]
    receivers = edge_index[1]
    num_nodes = node_latent.shape[0]
    m_inv = _mlp(node_latent, Wm1, bm1, Wm2, bm2)   # [N, 1]
    i_inv = _mlp(node_latent, Wi1, bi1, Wi2, bi2)   # [N, 1]
    out_fij = jnp.zeros((num_nodes, 3), dtype=node_latent.dtype).at[receivers].add(fij)
    out_tij = jnp.zeros((num_nodes, 3), dtype=node_latent.dtype).at[receivers].add(tij)
    node_dv_int = m_inv * out_fij + _mlp(node_latent, Wd1, bd1, Wd2, bd2)
    node_dw_int = i_inv * out_tij
    return (node_dv_int, node_dw_int)

if __name__ == "__main__":
    import jax
    _d = setup_inputs()
    print(jax.jit(kernel)(*tuple(_d.values())))

</pallas_src>

<mosaic_0001>
#map = affine_map<(d0, d1) -> (0)>
#map1 = affine_map<(d0, d1) -> (0, 0, 0)>
#map2 = affine_map<(d0, d1) -> (0, 0)>
module attributes {stable_mosaic.version = 14 : i64} {
  func.func @k(%arg0: i32, %arg1: i32, %arg2: memref<3200000xi32, #tpu.memory_space<hbm>>, %arg3: memref<25000x8x128xf32, #tpu.memory_space<hbm>>, %arg4: memref<6250x8xf32, #tpu.memory_space<hbm>>, %arg5: memref<2x100000x8xf32, #tpu.memory_space<hbm>>, %arg6: memref<100000x8xf32, #tpu.memory_space<vmem_shared>>, %arg7: memref<4x1280xi32, #tpu.memory_space<vmem>>, %arg8: memref<2x10x8x128xf32, #tpu.memory_space<vmem>>, %arg9: memref<2560x8xf32, #tpu.memory_space<vmem>>, %arg10: memref<!tpu.dma_semaphore, #tpu.memory_space<semaphore_mem>>, %arg11: memref<!tpu.dma_semaphore, #tpu.memory_space<semaphore_mem>>) attributes {dimension_semantics = [#tpu.dimension_semantics<core_parallel>, #tpu.dimension_semantics<subcore_parallel>], iteration_bounds = array<i64: 2, 16>, scalar_prefetch = 0 : i64, scratch_operands = 6 : i64, tpu.core_type = #tpu.core_type<sc_vector_subcore>, window_params = [{transform_indices = #map}, {transform_indices = #map1}, {transform_indices = #map2}, {transform_indices = #map1}]} {
    %mul3A = arith.constant 2 : i32
    %mul3A_0 = arith.muli %arg1, %mul3A : i32
    %add3A = arith.addi %mul3A_0, %arg0 : i32
    %mul3A_1 = arith.constant 6250 : i32
    %mul3A_2 = arith.muli %arg1, %mul3A_1 : i32
    "tpu.region"() ({
      %run_scoped3A = tpu.sem_alloc : memref<!tpu.dma_semaphore, #tpu.memory_space<semaphore_mem>>
      %dma_start3A_109 = arith.constant 0 : i32
      %dma_start3A_110 = tpu.memref_slice %arg6[%mul3A_2, %dma_start3A_109] : memref<100000x8xf32, #tpu.memory_space<vmem_shared>> -> memref<6250x8xf32, #tpu.memory_space<vmem_shared>>
      tpu.enqueue_dma source(%arg4 : memref<6250x8xf32, #tpu.memory_space<hbm>>) target(%dma_start3A_110 : memref<6250x8xf32, #tpu.memory_space<vmem_shared>>) target_semaphore(%run_scoped3A : memref<!tpu.dma_semaphore, #tpu.memory_space<semaphore_mem>>)
      %dma_wait3A = arith.constant 0 : i32
      %dma_wait3A_111 = tpu.memref_slice %arg6[%mul3A_2, %dma_wait3A] : memref<100000x8xf32, #tpu.memory_space<vmem_shared>> -> memref<6250x8xf32, #tpu.memory_space<vmem_shared>>
      tpu.wait_dma2 semaphore(%run_scoped3A : memref<!tpu.dma_semaphore, #tpu.memory_space<semaphore_mem>>) src(%arg4 : memref<6250x8xf32, #tpu.memory_space<hbm>>) dst(%dma_wait3A_111 : memref<6250x8xf32, #tpu.memory_space<vmem_shared>>)
      tpu.yield
    }) : () -> ()
    %barrier3A = arith.constant 0 : index
    tpu.barrier barrier_id(%barrier3A)
    %sub3A = arith.constant 2500 : i32
    %sub3A_3 = arith.subi %sub3A, %add3A : i32
    %add3A_4 = arith.constant 32 : i32
    %add3A_5 = arith.addi %sub3A_3, %add3A_4 : i32
    %sub3A_6 = arith.constant 1 : i32
    %sub3A_7 = arith.subi %add3A_5, %sub3A_6 : i32
    %jit3A = arith.constant 32 : i32
    %div3A = arith.divsi %sub3A_7, %jit3A : i32
    %sign3A = arith.constant 0 : i32
    %sign3A_8 = arith.cmpi sgt, %sub3A_7, %sign3A : i32
    %sign3A_9 = arith.extui %sign3A_8 : i1 to i32
    %sign3A_10 = arith.constant 0 : i32
    %sign3A_11 = arith.cmpi slt, %sub3A_7, %sign3A_10 : i32
    %sign3A_12 = arith.extui %sign3A_11 : i1 to i32
    %sign3A_13 = arith.subi %sign3A_9, %sign3A_12 : i32
    %sign3A_14 = arith.constant 0 : i32
    %sign3A_15 = arith.cmpi sgt, %jit3A, %sign3A_14 : i32
    %sign3A_16 = arith.extui %sign3A_15 : i1 to i32
    %sign3A_17 = arith.constant 0 : i32
    %sign3A_18 = arith.cmpi slt, %jit3A, %sign3A_17 : i32
    %sign3A_19 = arith.extui %sign3A_18 : i1 to i32
    %sign3A_20 = arith.subi %sign3A_16, %sign3A_19 : i32
    %ne3A = arith.cmpi ne, %sign3A_13, %sign3A_20 : i32
    %rem3A = arith.remsi %sub3A_7, %jit3A : i32
    %ne3A_21 = arith.constant 0 : i32
    %ne3A_22 = arith.cmpi ne, %rem3A, %ne3A_21 : i32
    %and3A = arith.andi %ne3A, %ne3A_22 : i1
    %sub3A_23 = arith.constant 1 : i32
    %sub3A_24 = arith.subi %div3A, %sub3A_23 : i32
    %select_n3A = arith.select %and3A, %sub3A_24, %div3A : i32
    %iota3A = tpu.iota {dimensions = array<i32: 0>} : vector<16xi32>
    %add3A_25 = arith.constant 0 : i32
    %add3A_26 = vector.broadcast %add3A_25 : i32 to vector<16xi32>
    %add3A_27 = arith.addi %add3A_26, %iota3A : vector<16xi32>
    %add3A_28 = arith.constant 16 : i32
    %add3A_29 = vector.broadcast %add3A_28 : i32 to vector<16xi32>
    %add3A_30 = arith.addi %add3A_29, %iota3A : vector<16xi32>
    %add3A_31 = arith.constant 32 : i32
    %add3A_32 = vector.broadcast %add3A_31 : i32 to vector<16xi32>
    %add3A_33 = arith.addi %add3A_32, %iota3A : vector<16xi32>
    %add3A_34 = arith.constant 48 : i32
    %add3A_35 = vector.broadcast %add3A_34 : i32 to vector<16xi32>
    %add3A_36 = arith.addi %add3A_35, %iota3A : vector<16xi32>
    %add3A_37 = arith.constant 64 : i32
    %add3A_38 = vector.broadcast %add3A_37 : i32 to vector<16xi32>
    %add3A_39 = arith.addi %add3A_38, %iota3A : vector<16xi32>
    %add3A_40 = arith.constant 80 : i32
    %add3A_41 = vector.broadcast %add3A_40 : i32 to vector<16xi32>
    %add3A_42 = arith.addi %add3A_41, %iota3A : vector<16xi32>
    %add3A_43 = arith.constant 96 : i32
    %add3A_44 = vector.broadcast %add3A_43 : i32 to vector<16xi32>
    %add3A_45 = arith.addi %add3A_44, %iota3A : vector<16xi32>
    %add3A_46 = arith.constant 112 : i32
    %add3A_47 = vector.broadcast %add3A_46 : i32 to vector<16xi32>
    %add3A_48 = arith.addi %add3A_47, %iota3A : vector<16xi32>
    %add3A_49 = arith.constant 0 : i32
    %add3A_50 = arith.addi %add3A, %add3A_49 : i32
    %rem3A_51 = arith.constant 0 : i32
    %rem3A_52 = arith.constant 2 : i32
    %rem3A_53 = arith.remsi %rem3A_51, %rem3A_52 : i32
    %rem3A_54 = arith.constant 0 : i32
    %rem3A_55 = arith.constant 4 : i32
    %rem3A_56 = arith.remsi %rem3A_54, %rem3A_55 : i32
    %mul3A_57 = arith.constant 1280 : i32
    %mul3A_58 = arith.muli %add3A_50, %mul3A_57 : i32
    %dma_start3A = arith.constant 0 : i32
    %dma_start3A_59 = tpu.memref_slice %arg7[%rem3A_56, %dma_start3A] : memref<4x1280xi32, #tpu.memory_space<vmem>> -> memref<1x1280xi32, #tpu.memory_space<vmem>>
    %dma_start3A_60 = tpu.memref_squeeze %dma_start3A_59 : memref<1x1280xi32, #tpu.memory_space<vmem>> -> memref<1280xi32, #tpu.memory_space<vmem>>
    %dma_start3A_61 = tpu.memref_slice %arg2[%mul3A_58] : memref<3200000xi32, #tpu.memory_space<hbm>> -> memref<1280xi32, #tpu.memory_space<hbm>>
    %dma_start3A_62 = arith.constant 0 : i32
    %dma_start3A_63 = tpu.memref_slice %arg7[%rem3A_56, %dma_start3A_62] : memref<4x1280xi32, #tpu.memory_space<vmem>> -> memref<1x1280xi32, #tpu.memory_space<vmem>>
    %dma_start3A_64 = tpu.memref_squeeze %dma_start3A_63 : memref<1x1280xi32, #tpu.memory_space<vmem>> -> memref<1280xi32, #tpu.memory_space<vmem>>
    %dma_start3A_65 = tpu.memref_slice %arg2[%mul3A_58] : memref<3200000xi32, #tpu.memory_space<hbm>> -> memref<1280xi32, #tpu.memory_space<hbm>>
    tpu.enqueue_dma source(%dma_start3A_65 : memref<1280xi32, #tpu.memory_space<hbm>>) target(%dma_start3A_64 : memref<1280xi32, #tpu.memory_space<vmem>>) target_semaphore(%arg10 : memref<!tpu.dma_semaphore, #tpu.memory_space<semaphore_mem>>)
    %mul3A_66 = arith.constant 10 : i32
    %mul3A_67 = arith.muli %add3A_50, %mul3A_66 : i32
    %dma_start3A_68 = arith.constant 0 : i32
    %dma_start3A_69 = arith.constant 0 : i32
    %dma_start3A_70 = arith.constant 0 : i32
    %dma_start3A_71 = tpu.memref_slice %arg8[%rem3A_53, %dma_start3A_68, %dma_start3A_69, %dma_start3A_70] : memref<2x10x8x128xf32, #tpu.memory_space<vmem>> -> memref<1x10x8x128xf32, #tpu.memory_space<vmem>>
    %dma_start3A_72 = tpu.memref_squeeze %dma_start3A_71 : memref<1x10x8x128xf32, #tpu.memory_space<vmem>> -> memref<10x8x128xf32, #tpu.memory_space<vmem>>
    %dma_start3A_73 = arith.constant 0 : i32
    %dma_start3A_74 = arith.constant 0 : i32
    %dma_start3A_75 = tpu.memref_slice %arg3[%mul3A_67, %dma_start3A_73, %dma_start3A_74] : memref<25000x8x128xf32, #tpu.memory_space<hbm>> -> memref<10x8x128xf32, #tpu.memory_space<hbm>>
    %dma_start3A_76 = arith.constant 0 : i32
    %dma_start3A_77 = arith.constant 0 : i32
    %dma_start3A_78 = arith.constant 0 : i32
    %dma_start3A_79 = tpu.memref_slice %arg8[%rem3A_53, %dma_start3A_76, %dma_start3A_77, %dma_start3A_78] : memref<2x10x8x128xf32, #tpu.memory_space<vmem>> -> memref<1x10x8x128xf32, #tpu.memory_space<vmem>>
    %dma_start3A_80 = tpu.memref_squeeze %dma_start3A_79 : memref<1x10x8x128xf32, #tpu.memory_space<vmem>> -> memref<10x8x128xf32, #tpu.memory_space<vmem>>
    %dma_start3A_81 = arith.constant 0 : i32
    %dma_start3A_82 = arith.constant 0 : i32
    %dma_start3A_83 = tpu.memref_slice %arg3[%mul3A_67, %dma_start3A_81, %dma_start3A_82] : memref<25000x8x128xf32, #tpu.memory_space<hbm>> -> memref<10x8x128xf32, #tpu.memory_space<hbm>>
    tpu.enqueue_dma source(%dma_start3A_83 : memref<10x8x128xf32, #tpu.memory_space<hbm>>) target(%dma_start3A_80 : memref<10x8x128xf32, #tpu.memory_space<vmem>>) target_semaphore(%arg10 : memref<!tpu.dma_semaphore, #tpu.memory_space<semaphore_mem>>)
    %while3A = arith.constant 0 : i32
    %while3A_84 = arith.constant 0 : i32
    %while3A_85 = arith.subi %select_n3A, %while3A_84 : i32
    %while3A_86 = arith.addi %while3A_84, %while3A_85 : i32
    %while3A_87 = arith.constant 1 : i32
    %while3A_88 = arith.divsi %while3A_85, %while3A_87 : i32
    %while3A_89 = arith.muli %while3A_88, %while3A_87 : i32
    %while3A_90 = arith.addi %while3A_84, %while3A_89 : i32
    %while3A_91 = arith.constant 1 : i32
    scf.for %while3A_109 = %while3A_84 to %while3A_90 step %while3A_91  : i32 {
      %rem3A_110 = arith.constant 2 : i32
      %rem3A_111 = arith.remsi %while3A_109, %rem3A_110 : i32
      %rem3A_112 = arith.constant 4 : i32
      %rem3A_113 = arith.remsi %while3A_109, %rem3A_112 : i32
      %dma_wait3A = arith.constant 0 : i32
      %dma_wait3A_114 = tpu.memref_slice %arg7[%rem3A_113, %dma_wait3A] : memref<4x1280xi32, #tpu.memory_space<vmem>> -> memref<1x1280xi32, #tpu.memory_space<vmem>>
      %dma_wait3A_115 = tpu.memref_squeeze %dma_wait3A_114 : memref<1x1280xi32, #tpu.memory_space<vmem>> -> memref<1280xi32, #tpu.memory_space<vmem>>
      %dma_wait3A_116 = arith.constant 0 : i32
      %dma_wait3A_117 = tpu.memref_slice %arg2[%dma_wait3A_116] : memref<3200000xi32, #tpu.memory_space<hbm>> -> memref<1280xi32, #tpu.memory_space<hbm>>
      %dma_wait3A_118 = arith.constant 0 : i32
      %dma_wait3A_119 = tpu.memref_slice %arg7[%rem3A_113, %dma_wait3A_118] : memref<4x1280xi32, #tpu.memory_space<vmem>> -> memref<1x1280xi32, #tpu.memory_space<vmem>>
      %dma_wait3A_120 = tpu.memref_squeeze %dma_wait3A_119 : memref<1x1280xi32, #tpu.memory_space<vmem>> -> memref<1280xi32, #tpu.memory_space<vmem>>
      %dma_wait3A_121 = arith.constant 0 : i32
      %dma_wait3A_122 = tpu.memref_slice %arg2[%dma_wait3A_121] : memref<3200000xi32, #tpu.memory_space<hbm>> -> memref<1280xi32, #tpu.memory_space<hbm>>
      tpu.wait_dma2 semaphore(%arg10 : memref<!tpu.dma_semaphore, #tpu.memory_space<semaphore_mem>>) src(%dma_wait3A_122 : memref<1280xi32, #tpu.memory_space<hbm>>) dst(%dma_wait3A_120 : memref<1280xi32, #tpu.memory_space<vmem>>)
      %dma_wait3A_123 = arith.constant 0 : i32
      %dma_wait3A_124 = arith.constant 0 : i32
      %dma_wait3A_125 = arith.constant 0 : i32
      %dma_wait3A_126 = tpu.memref_slice %arg8[%rem3A_111, %dma_wait3A_123, %dma_wait3A_124, %dma_wait3A_125] : memref<2x10x8x128xf32, #tpu.memory_space<vmem>> -> memref<1x10x8x128xf32, #tpu.memory_space<vmem>>
      %dma_wait3A_127 = tpu.memref_squeeze %dma_wait3A_126 : memref<1x10x8x128xf32, #tpu.memory_space<vmem>> -> memref<10x8x128xf32, #tpu.memory_space<vmem>>
      %dma_wait3A_128 = arith.constant 0 : i32
      %dma_wait3A_129 = arith.constant 0 : i32
      %dma_wait3A_130 = arith.constant 0 : i32
      %dma_wait3A_131 = tpu.memref_slice %arg3[%dma_wait3A_128, %dma_wait3A_129, %dma_wait3A_130] : memref<25000x8x128xf32, #tpu.memory_space<hbm>> -> memref<10x8x128xf32, #tpu.memory_space<hbm>>
      %dma_wait3A_132 = arith.constant 0 : i32
      %dma_wait3A_133 = arith.constant 0 : i32
      %dma_wait3A_134 = arith.constant 0 : i32
      %dma_wait3A_135 = tpu.memref_slice %arg8[%rem3A_111, %dma_wait3A_132, %dma_wait3A_133, %dma_wait3A_134] : memref<2x10x8x128xf32, #tpu.memory_space<vmem>> -> memref<1x10x8x128xf32, #tpu.memory_space<vmem>>
      %dma_wait3A_136 = tpu.memref_squeeze %dma_wait3A_135 : memref<1x10x8x128xf32, #tpu.memory_space<vmem>> -> memref<10x8x128xf32, #tpu.memory_space<vmem>>
      %dma_wait3A_137 = arith.constant 0 : i32
      %dma_wait3A_138 = arith.constant 0 : i32
      %dma_wait3A_139 = arith.constant 0 : i32
      %dma_wait3A_140 = tpu.memref_slice %arg3[%dma_wait3A_137, %dma_wait3A_138, %dma_wait3A_139] : memref<25000x8x128xf32, #tpu.memory_space<hbm>> -> memref<10x8x128xf32, #tpu.memory_space<hbm>>
      tpu.wait_dma2 semaphore(%arg10 : memref<!tpu.dma_semaphore, #tpu.memory_space<semaphore_mem>>) src(%dma_wait3A_140 : memref<10x8x128xf32, #tpu.memory_space<hbm>>) dst(%dma_wait3A_136 : memref<10x8x128xf32, #tpu.memory_space<vmem>>)
      %ge3A = arith.constant 2 : i32
      %ge3A_141 = arith.cmpi sge, %while3A_109, %ge3A : i32
      %convert_element_type3A = arith.extui %ge3A_141 : i1 to i32
      %cond3A = arith.constant 0 : i32
      %cond3A_142 = arith.cmpi ne, %convert_element_type3A, %cond3A : i32
      scf.if %cond3A_142 {
        %dma_wait3A_255 = arith.constant 0 : i32
        %dma_wait3A_256 = arith.constant 0 : i32
        %dma_wait3A_257 = tpu.memref_slice %arg9[%dma_wait3A_255, %dma_wait3A_256] : memref<2560x8xf32, #tpu.memory_space<vmem>> -> memref<128x8xf32, #tpu.memory_space<vmem>>
        %dma_wait3A_258 = arith.constant 0 : i32
        %dma_wait3A_259 = tpu.memref_slice %arg7[%rem3A_113, %dma_wait3A_258] : memref<4x1280xi32, #tpu.memory_space<vmem>> -> memref<1x128xi32, #tpu.memory_space<vmem>>
        %dma_wait3A_260 = tpu.memref_squeeze %dma_wait3A_259 : memref<1x128xi32, #tpu.memory_space<vmem>> -> memref<128xi32, #tpu.memory_space<vmem>>
        %dma_wait3A_261 = arith.constant 0 : i32
        %dma_wait3A_262 = arith.constant 0 : i32
        %dma_wait3A_263 = tpu.memref_slice %arg6[%dma_wait3A_261, %dma_wait3A_262] : memref<100000x8xf32, #tpu.memory_space<vmem_shared>> -> memref<100000x8xf32, #tpu.memory_space<vmem_shared>>
        tpu.wait_indirect_dma semaphore(%arg11 : memref<!tpu.dma_semaphore, #tpu.memory_space<semaphore_mem>>) src(%dma_wait3A_257 : memref<128x8xf32, #tpu.memory_space<vmem>>) dst(%dma_wait3A_263 : memref<100000x8xf32, #tpu.memory_space<vmem_shared>>)
        %dma_wait3A_264 = arith.constant 128 : i32
        %dma_wait3A_265 = arith.constant 0 : i32
        %dma_wait3A_266 = tpu.memref_slice %arg9[%dma_wait3A_264, %dma_wait3A_265] : memref<2560x8xf32, #tpu.memory_space<vmem>> -> memref<128x8xf32, #tpu.memory_space<vmem>>
        %dma_wait3A_267 = arith.constant 128 : i32
        %dma_wait3A_268 = tpu.memref_slice %arg7[%rem3A_113, %dma_wait3A_267] : memref<4x1280xi32, #tpu.memory_space<vmem>> -> memref<1x128xi32, #tpu.memory_space<vmem>>
        %dma_wait3A_269 = tpu.memref_squeeze %dma_wait3A_268 : memref<1x128xi32, #tpu.memory_space<vmem>> -> memref<128xi32, #tpu.memory_space<vmem>>
        %dma_wait3A_270 = arith.constant 0 : i32
        %dma_wait3A_271 = arith.constant 0 : i32
        %dma_wait3A_272 = tpu.memref_slice %arg6[%dma_wait3A_270, %dma_wait3A_271] : memref<100000x8xf32, #tpu.memory_space<vmem_shared>> -> memref<100000x8xf32, #tpu.memory_space<vmem_shared>>
        tpu.wait_indirect_dma semaphore(%arg11 : memref<!tpu.dma_semaphore, #tpu.memory_space<semaphore_mem>>) src(%dma_wait3A_266 : memref<128x8xf32, #tpu.memory_space<vmem>>) dst(%dma_wait3A_272 : memref<100000x8xf32, #tpu.memory_space<vmem_shared>>)
        %dma_wait3A_273 = arith.constant 256 : i32
        %dma_wait3A_274 = arith.constant 0 : i32
        %dma_wait3A_275 = tpu.memref_slice %arg9[%dma_wait3A_273, %dma_wait3A_274] : memref<2560x8xf32, #tpu.memory_space<vmem>> -> memref<128x8xf32, #tpu.memory_space<vmem>>
        %dma_wait3A_276 = arith.constant 256 : i32
        %dma_wait3A_277 = tpu.memref_slice %arg7[%rem3A_113, %dma_wait3A_276] : memref<4x1280xi32, #tpu.memory_space<vmem>> -> memref<1x128xi32, #tpu.memory_space<vmem>>
        %dma_wait3A_278 = tpu.memref_squeeze %dma_wait3A_277 : memref<1x128xi32, #tpu.memory_space<vmem>> -> memref<128xi32, #tpu.memory_space<vmem>>
        %dma_wait3A_279 = arith.constant 0 : i32
        %dma_wait3A_280 = arith.constant 0 : i32
        %dma_wait3A_281 = tpu.memref_slice %arg6[%dma_wait3A_279, %dma_wait3A_280] : memref<100000x8xf32, #tpu.memory_space<vmem_shared>> -> memref<100000x8xf32, #tpu.memory_space<vmem_shared>>
        tpu.wait_indirect_dma semaphore(%arg11 : memref<!tpu.dma_semaphore, #tpu.memory_space<semaphore_mem>>) src(%dma_wait3A_275 : memref<128x8xf32, #tpu.memory_space<vmem>>) dst(%dma_wait3A_281 : memref<100000x8xf32, #tpu.memory_space<vmem_shared>>)
        %dma_wait3A_282 = arith.constant 384 : i32
        %dma_wait3A_283 = arith.constant 0 : i32
        %dma_wait3A_284 = tpu.memref_slice %arg9[%dma_wait3A_282, %dma_wait3A_283] : memref<2560x8xf32, #tpu.memory_space<vmem>> -> memref<128x8xf32, #tpu.memory_space<vmem>>
        %dma_wait3A_285 = arith.constant 384 : i32
        %dma_wait3A_286 = tpu.memref_slice %arg7[%rem3A_113, %dma_wait3A_285] : memref<4x1280xi32, #tpu.memory_space<vmem>> -> memref<1x128xi32, #tpu.memory_space<vmem>>
        %dma_wait3A_287 = tpu.memref_squeeze %dma_wait3A_286 : memref<1x128xi32, #tpu.memory_space<vmem>> -> memref<128xi32, #tpu.memory_space<vmem>>
        %dma_wait3A_288 = arith.constant 0 : i32
        %dma_wait3A_289 = arith.constant 0 : i32
        %dma_wait3A_290 = tpu.memref_slice %arg6[%dma_wait3A_288, %dma_wait3A_289] : memref<100000x8xf32, #tpu.memory_space<vmem_shared>> -> memref<100000x8xf32, #tpu.memory_space<vmem_shared>>
        tpu.wait_indirect_dma semaphore(%arg11 : memref<!tpu.dma_semaphore, #tpu.memory_space<semaphore_mem>>) src(%dma_wait3A_284 : memref<128x8xf32, #tpu.memory_space<vmem>>) dst(%dma_wait3A_290 : memref<100000x8xf32, #tpu.memory_space<vmem_shared>>)
        %dma_wait3A_291 = arith.constant 512 : i32
        %dma_wait3A_292 = arith.constant 0 : i32
        %dma_wait3A_293 = tpu.memref_slice %arg9[%dma_wait3A_291, %dma_wait3A_292] : memref<2560x8xf32, #tpu.memory_space<vmem>> -> memref<128x8xf32, #tpu.memory_space<vmem>>
        %dma_wait3A_294 = arith.constant 512 : i32
        %dma_wait3A_295 = tpu.memref_slice %arg7[%rem3A_113, %dma_wait3A_294] : memref<4x1280xi32, #tpu.memory_space<vmem>> -> memref<1x128xi32, #tpu.memory_space<vmem>>
        %dma_wait3A_296 = tpu.memref_squeeze %dma_wait3A_295 : memref<1x128xi32, #tpu.memory_space<vmem>> -> memref<128xi32, #tpu.memory_space<vmem>>
        %dma_wait3A_297 = arith.constant 0 : i32
        %dma_wait3A_298 = arith.constant 0 : i32
        %dma_wait3A_299 = tpu.memref_slice %arg6[%dma_wait3A_297, %dma_wait3A_298] : memref<100000x8xf32, #tpu.memory_space<vmem_shared>> -> memref<100000x8xf32, #tpu.memory_space<vmem_shared>>
        tpu.wait_indirect_dma semaphore(%arg11 : memref<!tpu.dma_semaphore, #tpu.memory_space<semaphore_mem>>) src(%dma_wait3A_293 : memref<128x8xf32, #tpu.memory_space<vmem>>) dst(%dma_wait3A_299 : memref<100000x8xf32, #tpu.memory_space<vmem_shared>>)
        %dma_wait3A_300 = arith.constant 640 : i32
        %dma_wait3A_301 = arith.constant 0 : i32
        %dma_wait3A_302 = tpu.memref_slice %arg9[%dma_wait3A_300, %dma_wait3A_301] : memref<2560x8xf32, #tpu.memory_space<vmem>> -> memref<128x8xf32, #tpu.memory_space<vmem>>
        %dma_wait3A_303 = arith.constant 640 : i32
        %dma_wait3A_304 = tpu.memref_slice %arg7[%rem3A_113, %dma_wait3A_303] : memref<4x1280xi32, #tpu.memory_space<vmem>> -> memref<1x128xi32, #tpu.memory_space<vmem>>
        %dma_wait3A_305 = tpu.memref_squeeze %dma_wait3A_304 : memref<1x128xi32, #tpu.memory_space<vmem>> -> memref<128xi32, #tpu.memory_space<vmem>>
        %dma_wait3A_306 = arith.constant 0 : i32
        %dma_wait3A_307 = arith.constant 0 : i32
        %dma_wait3A_308 = tpu.memref_slice %arg6[%dma_wait3A_306, %dma_wait3A_307] : memref<100000x8xf32, #tpu.memory_space<vmem_shared>> -> memref<100000x8xf32, #tpu.memory_space<vmem_shared>>
        tpu.wait_indirect_dma semaphore(%arg11 : memref<!tpu.dma_semaphore, #tpu.memory_space<semaphore_mem>>) src(%dma_wait3A_302 : memref<128x8xf32, #tpu.memory_space<vmem>>) dst(%dma_wait3A_308 : memref<100000x8xf32, #tpu.memory_space<vmem_shared>>)
        %dma_wait3A_309 = arith.constant 768 : i32
        %dma_wait3A_310 = arith.constant 0 : i32
        %dma_wait3A_311 = tpu.memref_slice %arg9[%dma_wait3A_309, %dma_wait3A_310] : memref<2560x8xf32, #tpu.memory_space<vmem>> -> memref<128x8xf32, #tpu.memory_space<vmem>>
        %dma_wait3A_312 = arith.constant 768 : i32
        %dma_wait3A_313 = tpu.memref_slice %arg7[%rem3A_113, %dma_wait3A_312] : memref<4x1280xi32, #tpu.memory_space<vmem>> -> memref<1x128xi32, #tpu.memory_space<vmem>>
        %dma_wait3A_314 = tpu.memref_squeeze %dma_wait3A_313 : memref<1x128xi32, #tpu.memory_space<vmem>> -> memref<128xi32, #tpu.memory_space<vmem>>
        %dma_wait3A_315 = arith.constant 0 : i32
        %dma_wait3A_316 = arith.constant 0 : i32
        %dma_wait3A_317 = tpu.memref_slice %arg6[%dma_wait3A_315, %dma_wait3A_316] : memref<100000x8xf32, #tpu.memory_space<vmem_shared>> -> memref<100000x8xf32, #tpu.memory_space<vmem_shared>>
        tpu.wait_indirect_dma semaphore(%arg11 : memref<!tpu.dma_semaphore, #tpu.memory_space<semaphore_mem>>) src(%dma_wait3A_311 : memref<128x8xf32, #tpu.memory_space<vmem>>) dst(%dma_wait3A_317 : memref<100000x8xf32, #tpu.memory_space<vmem_shared>>)
        %dma_wait3A_318 = arith.constant 896 : i32
        %dma_wait3A_319 = arith.constant 0 : i32
        %dma_wait3A_320 = tpu.memref_slice %arg9[%dma_wait3A_318, %dma_wait3A_319] : memref<2560x8xf32, #tpu.memory_space<vmem>> -> memref<128x8xf32, #tpu.memory_space<vmem>>
        %dma_wait3A_321 = arith.constant 896 : i32
        %dma_wait3A_322 = tpu.memref_slice %arg7[%rem3A_113, %dma_wait3A_321] : memref<4x1280xi32, #tpu.memory_space<vmem>> -> memref<1x128xi32, #tpu.memory_space<vmem>>
        %dma_wait3A_323 = tpu.memref_squeeze %dma_wait3A_322 : memref<1x128xi32, #tpu.memory_space<vmem>> -> memref<128xi32, #tpu.memory_space<vmem>>
        %dma_wait3A_324 = arith.constant 0 : i32
        %dma_wait3A_325 = arith.constant 0 : i32
        %dma_wait3A_326 = tpu.memref_slice %arg6[%dma_wait3A_324, %dma_wait3A_325] : memref<100000x8xf32, #tpu.memory_space<vmem_shared>> -> memref<100000x8xf32, #tpu.memory_space<vmem_shared>>
        tpu.wait_indirect_dma semaphore(%arg11 : memref<!tpu.dma_semaphore, #tpu.memory_space<semaphore_mem>>) src(%dma_wait3A_320 : memref<128x8xf32, #tpu.memory_space<vmem>>) dst(%dma_wait3A_326 : memref<100000x8xf32, #tpu.memory_space<vmem_shared>>)
        %dma_wait3A_327 = arith.constant 1024 : i32
        %dma_wait3A_328 = arith.constant 0 : i32
        %dma_wait3A_329 = tpu.memref_slice %arg9[%dma_wait3A_327, %dma_wait3A_328] : memref<2560x8xf32, #tpu.memory_space<vmem>> -> memref<128x8xf32, #tpu.memory_space<vmem>>
        %dma_wait3A_330 = arith.constant 1024 : i32
        %dma_wait3A_331 = tpu.memref_slice %arg7[%rem3A_113, %dma_wait3A_330] : memref<4x1280xi32, #tpu.memory_space<vmem>> -> memref<1x128xi32, #tpu.memory_space<vmem>>
        %dma_wait3A_332 = tpu.memref_squeeze %dma_wait3A_331 : memref<1x128xi32, #tpu.memory_space<vmem>> -> memref<128xi32, #tpu.memory_space<vmem>>
        %dma_wait3A_333 = arith.constant 0 : i32
        %dma_wait3A_334 = arith.constant 0 : i32
        %dma_wait3A_335 = tpu.memref_slice %arg6[%dma_wait3A_333, %dma_wait3A_334] : memref<100000x8xf32, #tpu.memory_space<vmem_shared>> -> memref<100000x8xf32, #tpu.memory_space<vmem_shared>>
        tpu.wait_indirect_dma semaphore(%arg11 : memref<!tpu.dma_semaphore, #tpu.memory_space<semaphore_mem>>) src(%dma_wait3A_329 : memref<128x8xf32, #tpu.memory_space<vmem>>) dst(%dma_wait3A_335 : memref<100000x8xf32, #tpu.memory_space<vmem_shared>>)
        %dma_wait3A_336 = arith.constant 1152 : i32
        %dma_wait3A_337 = arith.constant 0 : i32
        %dma_wait3A_338 = tpu.memref_slice %arg9[%dma_wait3A_336, %dma_wait3A_337] : memref<2560x8xf32, #tpu.memory_space<vmem>> -> memref<128x8xf32, #tpu.memory_space<vmem>>
        %dma_wait3A_339 = arith.constant 1152 : i32
        %dma_wait3A_340 = tpu.memref_slice %arg7[%rem3A_113, %dma_wait3A_339] : memref<4x1280xi32, #tpu.memory_space<vmem>> -> memref<1x128xi32, #tpu.memory_space<vmem>>
        %dma_wait3A_341 = tpu.memref_squeeze %dma_wait3A_340 : memref<1x128xi32, #tpu.memory_space<vmem>> -> memref<128xi32, #tpu.memory_space<vmem>>
        %dma_wait3A_342 = arith.constant 0 : i32
        %dma_wait3A_343 = arith.constant 0 : i32
        %dma_wait3A_344 = tpu.memref_slice %arg6[%dma_wait3A_342, %dma_wait3A_343] : memref<100000x8xf32, #tpu.memory_space<vmem_shared>> -> memref<100000x8xf32, #tpu.memory_space<vmem_shared>>
        tpu.wait_indirect_dma semaphore(%arg11 : memref<!tpu.dma_semaphore, #tpu.memory_space<semaphore_mem>>) src(%dma_wait3A_338 : memref<128x8xf32, #tpu.memory_space<vmem>>) dst(%dma_wait3A_344 : memref<100000x8xf32, #tpu.memory_space<vmem_shared>>)
      } else {
      }
      %add3A_143 = arith.constant 1 : i32
      %add3A_144 = arith.addi %while3A_109, %add3A_143 : i32
      %lt3A = arith.cmpi slt, %add3A_144, %select_n3A : i32
      %convert_element_type3A_145 = arith.extui %lt3A : i1 to i32
      %cond3A_146 = arith.constant 0 : i32
      %cond3A_147 = arith.cmpi ne, %convert_element_type3A_145, %cond3A_146 : i32
      scf.if %cond3A_147 {
        %add3A_255 = arith.constant 1 : i32
        %add3A_256 = arith.addi %while3A_109, %add3A_255 : i32
        %mul3A_257 = arith.constant 32 : i32
        %mul3A_258 = arith.muli %add3A_256, %mul3A_257 : i32
        %add3A_259 = arith.addi %add3A, %mul3A_258 : i32
        %rem3A_260 = arith.constant 2 : i32
        %rem3A_261 = arith.remsi %add3A_256, %rem3A_260 : i32
        %rem3A_262 = arith.constant 4 : i32
        %rem3A_263 = arith.remsi %add3A_256, %rem3A_262 : i32
        %mul3A_264 = arith.constant 1280 : i32
        %mul3A_265 = arith.muli %add3A_259, %mul3A_264 : i32
        %dma_start3A_266 = arith.constant 0 : i32
        %dma_start3A_267 = tpu.memref_slice %arg7[%rem3A_263, %dma_start3A_266] : memref<4x1280xi32, #tpu.memory_space<vmem>> -> memref<1x1280xi32, #tpu.memory_space<vmem>>
        %dma_start3A_268 = tpu.memref_squeeze %dma_start3A_267 : memref<1x1280xi32, #tpu.memory_space<vmem>> -> memref<1280xi32, #tpu.memory_space<vmem>>
        %dma_start3A_269 = tpu.memref_slice %arg2[%mul3A_265] : memref<3200000xi32, #tpu.memory_space<hbm>> -> memref<1280xi32, #tpu.memory_space<hbm>>
        %dma_start3A_270 = arith.constant 0 : i32
        %dma_start3A_271 = tpu.memref_slice %arg7[%rem3A_263, %dma_start3A_270] : memref<4x1280xi32, #tpu.memory_space<vmem>> -> memref<1x1280xi32, #tpu.memory_space<vmem>>
        %dma_start3A_272 = tpu.memref_squeeze %dma_start3A_271 : memref<1x1280xi32, #tpu.memory_space<vmem>> -> memref<1280xi32, #tpu.memory_space<vmem>>
        %dma_start3A_273 = tpu.memref_slice %arg2[%mul3A_265] : memref<3200000xi32, #tpu.memory_space<hbm>> -> memref<1280xi32, #tpu.memory_space<hbm>>
        tpu.enqueue_dma source(%dma_start3A_273 : memref<1280xi32, #tpu.memory_space<hbm>>) target(%dma_start3A_272 : memref<1280xi32, #tpu.memory_space<vmem>>) target_semaphore(%arg10 : memref<!tpu.dma_semaphore, #tpu.memory_space<semaphore_mem>>)
        %mul3A_274 = arith.constant 10 : i32
        %mul3A_275 = arith.muli %add3A_259, %mul3A_274 : i32
        %dma_start3A_276 = arith.constant 0 : i32
        %dma_start3A_277 = arith.constant 0 : i32
        %dma_start3A_278 = arith.constant 0 : i32
        %dma_start3A_279 = tpu.memref_slice %arg8[%rem3A_261, %dma_start3A_276, %dma_start3A_277, %dma_start3A_278] : memref<2x10x8x128xf32, #tpu.memory_space<vmem>> -> memref<1x10x8x128xf32, #tpu.memory_space<vmem>>
        %dma_start3A_280 = tpu.memref_squeeze %dma_start3A_279 : memref<1x10x8x128xf32, #tpu.memory_space<vmem>> -> memref<10x8x128xf32, #tpu.memory_space<vmem>>
        %dma_start3A_281 = arith.constant 0 : i32
        %dma_start3A_282 = arith.constant 0 : i32
        %dma_start3A_283 = tpu.memref_slice %arg3[%mul3A_275, %dma_start3A_281, %dma_start3A_282] : memref<25000x8x128xf32, #tpu.memory_space<hbm>> -> memref<10x8x128xf32, #tpu.memory_space<hbm>>
        %dma_start3A_284 = arith.constant 0 : i32
        %dma_start3A_285 = arith.constant 0 : i32
        %dma_start3A_286 = arith.constant 0 : i32
        %dma_start3A_287 = tpu.memref_slice %arg8[%rem3A_261, %dma_start3A_284, %dma_start3A_285, %dma_start3A_286] : memref<2x10x8x128xf32, #tpu.memory_space<vmem>> -> memref<1x10x8x128xf32, #tpu.memory_space<vmem>>
        %dma_start3A_288 = tpu.memref_squeeze %dma_start3A_287 : memref<1x10x8x128xf32, #tpu.memory_space<vmem>> -> memref<10x8x128xf32, #tpu.memory_space<vmem>>
        %dma_start3A_289 = arith.constant 0 : i32
        %dma_start3A_290 = arith.constant 0 : i32
        %dma_start3A_291 = tpu.memref_slice %arg3[%mul3A_275, %dma_start3A_289, %dma_start3A_290] : memref<25000x8x128xf32, #tpu.memory_space<hbm>> -> memref<10x8x128xf32, #tpu.memory_space<hbm>>
        tpu.enqueue_dma source(%dma_start3A_291 : memref<10x8x128xf32, #tpu.memory_space<hbm>>) target(%dma_start3A_288 : memref<10x8x128xf32, #tpu.memory_space<vmem>>) target_semaphore(%arg10 : memref<!tpu.dma_semaphore, #tpu.memory_space<semaphore_mem>>)
      } else {
      }
      %mul3A_148 = arith.constant 1280 : i32
      %mul3A_149 = arith.muli %rem3A_111, %mul3A_148 : i32
      %scan3A = arith.constant 0 : i32
      %scan3A_150 = arith.constant 0 : i32
      %scan3A_151 = arith.constant 80 : i32
      %scan3A_152 = arith.addi %scan3A_150, %scan3A_151 : i32
      %scan3A_153 = arith.constant 1 : i32
      scf.for %scan3A_255 = %scan3A_150 to %scan3A_152 step %scan3A_153  : i32 {
        %shift_right_arithmetic3A = arith.constant 3 : i32
        %shift_right_arithmetic3A_256 = arith.shrsi %scan3A_255, %shift_right_arithmetic3A : i32
        %and3A_257 = arith.constant 7 : i32
        %and3A_258 = arith.andi %scan3A_255, %and3A_257 : i32
        %broadcast_in_dim3A = vector.broadcast %and3A_258 : i32 to vector<16xi32>
        %mul3A_259 = arith.constant 128 : i32
        %mul3A_260 = arith.muli %shift_right_arithmetic3A_256, %mul3A_259 : i32
        %add3A_261 = arith.addi %mul3A_149, %mul3A_260 : i32
        %get3A = arith.index_cast %rem3A_111 : i32 to index
        %get3A_262 = arith.index_cast %shift_right_arithmetic3A_256 : i32 to index
        %get3A_263 = arith.index_cast %and3A_258 : i32 to index
        %get3A_264 = arith.constant 0 : index
        %get3A_265 = tpu.vector_load %arg8[%get3A, %get3A_262, %get3A_263, %get3A_264] {strides = array<i32>} : memref<2x10x8x128xf32, #tpu.memory_space<vmem>>, vector<16xf32>,
        %add3A_266 = vector.broadcast %add3A_261 : i32 to vector<16xi32>
        %add3A_267 = arith.addi %add3A_266, %add3A_27 : vector<16xi32>
        tpu.vector_store_idx %arg9[%add3A_267, %broadcast_in_dim3A], %get3A_265 : memref<2560x8xf32, #tpu.memory_space<vmem>>[vector<16xi32>, vector<16xi32>], vector<16xf32>,
        %get3A_268 = arith.index_cast %rem3A_111 : i32 to index
        %get3A_269 = arith.index_cast %shift_right_arithmetic3A_256 : i32 to index
        %get3A_270 = arith.index_cast %and3A_258 : i32 to index
        %get3A_271 = arith.constant 16 : index
        %get3A_272 = tpu.vector_load %arg8[%get3A_268, %get3A_269, %get3A_270, %get3A_271] {strides = array<i32>} : memref<2x10x8x128xf32, #tpu.memory_space<vmem>>, vector<16xf32>,
        %add3A_273 = vector.broadcast %add3A_261 : i32 to vector<16xi32>
        %add3A_274 = arith.addi %add3A_273, %add3A_30 : vector<16xi32>
        tpu.vector_store_idx %arg9[%add3A_274, %broadcast_in_dim3A], %get3A_272 : memref<2560x8xf32, #tpu.memory_space<vmem>>[vector<16xi32>, vector<16xi32>], vector<16xf32>,
        %get3A_275 = arith.index_cast %rem3A_111 : i32 to index
        %get3A_276 = arith.index_cast %shift_right_arithmetic3A_256 : i32 to index
        %get3A_277 = arith.index_cast %and3A_258 : i32 to index
        %get3A_278 = arith.constant 32 : index
        %get3A_279 = tpu.vector_load %arg8[%get3A_275, %get3A_276, %get3A_277, %get3A_278] {strides = array<i32>} : memref<2x10x8x128xf32, #tpu.memory_space<vmem>>, vector<16xf32>,
        %add3A_280 = vector.broadcast %add3A_261 : i32 to vector<16xi32>
        %add3A_281 = arith.addi %add3A_280, %add3A_33 : vector<16xi32>
        tpu.vector_store_idx %arg9[%add3A_281, %broadcast_in_dim3A], %get3A_279 : memref<2560x8xf32, #tpu.memory_space<vmem>>[vector<16xi32>, vector<16xi32>], vector<16xf32>,
        %get3A_282 = arith.index_cast %rem3A_111 : i32 to index
        %get3A_283 = arith.index_cast %shift_right_arithmetic3A_256 : i32 to index
        %get3A_284 = arith.index_cast %and3A_258 : i32 to index
        %get3A_285 = arith.constant 48 : index
        %get3A_286 = tpu.vector_load %arg8[%get3A_282, %get3A_283, %get3A_284, %get3A_285] {strides = array<i32>} : memref<2x10x8x128xf32, #tpu.memory_space<vmem>>, vector<16xf32>,
        %add3A_287 = vector.broadcast %add3A_261 : i32 to vector<16xi32>
        %add3A_288 = arith.addi %add3A_287, %add3A_36 : vector<16xi32>
        tpu.vector_store_idx %arg9[%add3A_288, %broadcast_in_dim3A], %get3A_286 : memref<2560x8xf32, #tpu.memory_space<vmem>>[vector<16xi32>, vector<16xi32>], vector<16xf32>,
        %get3A_289 = arith.index_cast %rem3A_111 : i32 to index
        %get3A_290 = arith.index_cast %shift_right_arithmetic3A_256 : i32 to index
        %get3A_291 = arith.index_cast %and3A_258 : i32 to index
        %get3A_292 = arith.constant 64 : index
        %get3A_293 = tpu.vector_load %arg8[%get3A_289, %get3A_290, %get3A_291, %get3A_292] {strides = array<i32>} : memref<2x10x8x128xf32, #tpu.memory_space<vmem>>, vector<16xf32>,
        %add3A_294 = vector.broadcast %add3A_261 : i32 to vector<16xi32>
        %add3A_295 = arith.addi %add3A_294, %add3A_39 : vector<16xi32>
        tpu.vector_store_idx %arg9[%add3A_295, %broadcast_in_dim3A], %get3A_293 : memref<2560x8xf32, #tpu.memory_space<vmem>>[vector<16xi32>, vector<16xi32>], vector<16xf32>,
        %get3A_296 = arith.index_cast %rem3A_111 : i32 to index
        %get3A_297 = arith.index_cast %shift_right_arithmetic3A_256 : i32 to index
        %get3A_298 = arith.index_cast %and3A_258 : i32 to index
        %get3A_299 = arith.constant 80 : index
        %get3A_300 = tpu.vector_load %arg8[%get3A_296, %get3A_297, %get3A_298, %get3A_299] {strides = array<i32>} : memref<2x10x8x128xf32, #tpu.memory_space<vmem>>, vector<16xf32>,
        %add3A_301 = vector.broadcast %add3A_261 : i32 to vector<16xi32>
        %add3A_302 = arith.addi %add3A_301, %add3A_42 : vector<16xi32>
        tpu.vector_store_idx %arg9[%add3A_302, %broadcast_in_dim3A], %get3A_300 : memref<2560x8xf32, #tpu.memory_space<vmem>>[vector<16xi32>, vector<16xi32>], vector<16xf32>,
        %get3A_303 = arith.index_cast %rem3A_111 : i32 to index
        %get3A_304 = arith.index_cast %shift_right_arithmetic3A_256 : i32 to index
        %get3A_305 = arith.index_cast %and3A_258 : i32 to index
        %get3A_306 = arith.constant 96 : index
        %get3A_307 = tpu.vector_load %arg8[%get3A_303, %get3A_304, %get3A_305, %get3A_306] {strides = array<i32>} : memref<2x10x8x128xf32, #tpu.memory_space<vmem>>, vector<16xf32>,
        %add3A_308 = vector.broadcast %add3A_261 : i32 to vector<16xi32>
        %add3A_309 = arith.addi %add3A_308, %add3A_45 : vector<16xi32>
        tpu.vector_store_idx %arg9[%add3A_309, %broadcast_in_dim3A], %get3A_307 : memref<2560x8xf32, #tpu.memory_space<vmem>>[vector<16xi32>, vector<16xi32>], vector<16xf32>,
        %get3A_310 = arith.index_cast %rem3A_111 : i32 to index
        %get3A_311 = arith.index_cast %shift_right_arithmetic3A_256 : i32 to index
        %get3A_312 = arith.index_cast %and3A_258 : i32 to index
        %get3A_313 = arith.constant 112 : index
        %get3A_314 = tpu.vector_load %arg8[%get3A_310, %get3A_311, %get3A_312, %get3A_313] {strides = array<i32>} : memref<2x10x8x128xf32, #tpu.memory_space<vmem>>, vector<16xf32>,
        %add3A_315 = vector.broadcast %add3A_261 : i32 to vector<16xi32>
        %add3A_316 = arith.addi %add3A_315, %add3A_48 : vector<16xi32>
        tpu.vector_store_idx %arg9[%add3A_316, %broadcast_in_dim3A], %get3A_314 : memref<2560x8xf32, #tpu.memory_space<vmem>>[vector<16xi32>, vector<16xi32>], vector<16xf32>,
      }
      %scan3A_154 = arith.constant 80 : i32
      %add3A_155 = arith.constant 0 : i32
      %add3A_156 = arith.addi %mul3A_149, %add3A_155 : i32
      %dma_start3A_157 = arith.constant 0 : i32
      %dma_start3A_158 = tpu.memref_slice %arg9[%add3A_156, %dma_start3A_157] : memref<2560x8xf32, #tpu.memory_space<vmem>> -> memref<128x8xf32, #tpu.memory_space<vmem>>
      %dma_start3A_159 = arith.constant 0 : i32
      %dma_start3A_160 = tpu.memref_slice %arg7[%rem3A_113, %dma_start3A_159] : memref<4x1280xi32, #tpu.memory_space<vmem>> -> memref<1x128xi32, #tpu.memory_space<vmem>>
      %dma_start3A_161 = tpu.memref_squeeze %dma_start3A_160 : memref<1x128xi32, #tpu.memory_space<vmem>> -> memref<128xi32, #tpu.memory_space<vmem>>
      %dma_start3A_162 = arith.constant 0 : i32
      %dma_start3A_163 = arith.constant 0 : i32
      %dma_start3A_164 = tpu.memref_slice %arg6[%dma_start3A_162, %dma_start3A_163] : memref<100000x8xf32, #tpu.memory_space<vmem_shared>> -> memref<100000x8xf32, #tpu.memory_space<vmem_shared>>
      tpu.enqueue_indirect_dma source(%dma_start3A_158 : memref<128x8xf32, #tpu.memory_space<vmem>>) target(%dma_start3A_164 : memref<100000x8xf32, #tpu.memory_space<vmem_shared>>) offsets(%dma_start3A_161 : memref<128xi32, #tpu.memory_space<vmem>>) semaphore(%arg11 : memref<!tpu.dma_semaphore, #tpu.memory_space<semaphore_mem>>) {add = true}
      %add3A_165 = arith.constant 128 : i32
      %add3A_166 = arith.addi %mul3A_149, %add3A_165 : i32
      %dma_start3A_167 = arith.constant 0 : i32
      %dma_start3A_168 = tpu.memref_slice %arg9[%add3A_166, %dma_start3A_167] : memref<2560x8xf32, #tpu.memory_space<vmem>> -> memref<128x8xf32, #tpu.memory_space<vmem>>
      %dma_start3A_169 = arith.constant 128 : i32
      %dma_start3A_170 = tpu.memref_slice %arg7[%rem3A_113, %dma_start3A_169] : memref<4x1280xi32, #tpu.memory_space<vmem>> -> memref<1x128xi32, #tpu.memory_space<vmem>>
      %dma_start3A_171 = tpu.memref_squeeze %dma_start3A_170 : memref<1x128xi32, #tpu.memory_space<vmem>> -> memref<128xi32, #tpu.memory_space<vmem>>
      %dma_start3A_172 = arith.constant 0 : i32
      %dma_start3A_173 = arith.constant 0 : i32
      %dma_start3A_174 = tpu.memref_slice %arg6[%dma_start3A_172, %dma_start3A_173] : memref<100000x8xf32, #tpu.memory_space<vmem_shared>> -> memref<100000x8xf32, #tpu.memory_space<vmem_shared>>
      tpu.enqueue_indirect_dma source(%dma_start3A_168 : memref<128x8xf32, #tpu.memory_space<vmem>>) target(%dma_start3A_174 : memref<100000x8xf32, #tpu.memory_space<vmem_shared>>) offsets(%dma_start3A_171 : memref<128xi32, #tpu.memory_space<vmem>>) semaphore(%arg11 : memref<!tpu.dma_semaphore, #tpu.memory_space<semaphore_mem>>) {add = true}
      %add3A_175 = arith.constant 256 : i32
      %add3A_176 = arith.addi %mul3A_149, %add3A_175 : i32
      %dma_start3A_177 = arith.constant 0 : i32
      %dma_start3A_178 = tpu.memref_slice %arg9[%add3A_176, %dma_start3A_177] : memref<2560x8xf32, #tpu.memory_space<vmem>> -> memref<128x8xf32, #tpu.memory_space<vmem>>
      %dma_start3A_179 = arith.constant 256 : i32
      %dma_start3A_180 = tpu.memref_slice %arg7[%rem3A_113, %dma_start3A_179] : memref<4x1280xi32, #tpu.memory_space<vmem>> -> memref<1x128xi32, #tpu.memory_space<vmem>>
      %dma_start3A_181 = tpu.memref_squeeze %dma_start3A_180 : memref<1x128xi32, #tpu.memory_space<vmem>> -> memref<128xi32, #tpu.memory_space<vmem>>
      %dma_start3A_182 = arith.constant 0 : i32
      %dma_start3A_183 = arith.constant 0 : i32
      %dma_start3A_184 = tpu.memref_slice %arg6[%dma_start3A_182, %dma_start3A_183] : memref<100000x8xf32, #tpu.memory_space<vmem_shared>> -> memref<100000x8xf32, #tpu.memory_space<vmem_shared>>
      tpu.enqueue_indirect_dma source(%dma_start3A_178 : memref<128x8xf32, #tpu.memory_space<vmem>>) target(%dma_start3A_184 : memref<100000x8xf32, #tpu.memory_space<vmem_shared>>) offsets(%dma_start3A_181 : memref<128xi32, #tpu.memory_space<vmem>>) semaphore(%arg11 : memref<!tpu.dma_semaphore, #tpu.memory_space<semaphore_mem>>) {add = true}
      %add3A_185 = arith.constant 384 : i32
      %add3A_186 = arith.addi %mul3A_149, %add3A_185 : i32
      %dma_start3A_187 = arith.constant 0 : i32
      %dma_start3A_188 = tpu.memref_slice %arg9[%add3A_186, %dma_start3A_187] : memref<2560x8xf32, #tpu.memory_space<vmem>> -> memref<128x8xf32, #tpu.memory_space<vmem>>
      %dma_start3A_189 = arith.constant 384 : i32
      %dma_start3A_190 = tpu.memref_slice %arg7[%rem3A_113, %dma_start3A_189] : memref<4x1280xi32, #tpu.memory_space<vmem>> -> memref<1x128xi32, #tpu.memory_space<vmem>>
      %dma_start3A_191 = tpu.memref_squeeze %dma_start3A_190 : memref<1x128xi32, #tpu.memory_space<vmem>> -> memref<128xi32, #tpu.memory_space<vmem>>
      %dma_start3A_192 = arith.constant 0 : i32
      %dma_start3A_193 = arith.constant 0 : i32
      %dma_start3A_194 = tpu.memref_slice %arg6[%dma_start3A_192, %dma_start3A_193] : memref<100000x8xf32, #tpu.memory_space<vmem_shared>> -> memref<100000x8xf32, #tpu.memory_space<vmem_shared>>
      tpu.enqueue_indirect_dma source(%dma_start3A_188 : memref<128x8xf32, #tpu.memory_space<vmem>>) target(%dma_start3A_194 : memref<100000x8xf32, #tpu.memory_space<vmem_shared>>) offsets(%dma_start3A_191 : memref<128xi32, #tpu.memory_space<vmem>>) semaphore(%arg11 : memref<!tpu.dma_semaphore, #tpu.memory_space<semaphore_mem>>) {add = true}
      %add3A_195 = arith.constant 512 : i32
      %add3A_196 = arith.addi %mul3A_149, %add3A_195 : i32
      %dma_start3A_197 = arith.constant 0 : i32
      %dma_start3A_198 = tpu.memref_slice %arg9[%add3A_196, %dma_start3A_197] : memref<2560x8xf32, #tpu.memory_space<vmem>> -> memref<128x8xf32, #tpu.memory_space<vmem>>
      %dma_start3A_199 = arith.constant 512 : i32
      %dma_start3A_200 = tpu.memref_slice %arg7[%rem3A_113, %dma_start3A_199] : memref<4x1280xi32, #tpu.memory_space<vmem>> -> memref<1x128xi32, #tpu.memory_space<vmem>>
      %dma_start3A_201 = tpu.memref_squeeze %dma_start3A_200 : memref<1x128xi32, #tpu.memory_space<vmem>> -> memref<128xi32, #tpu.memory_space<vmem>>
      %dma_start3A_202 = arith.constant 0 : i32
      %dma_start3A_203 = arith.constant 0 : i32
      %dma_start3A_204 = tpu.memref_slice %arg6[%dma_start3A_202, %dma_start3A_203] : memref<100000x8xf32, #tpu.memory_space<vmem_shared>> -> memref<100000x8xf32, #tpu.memory_space<vmem_shared>>
      tpu.enqueue_indirect_dma source(%dma_start3A_198 : memref<128x8xf32, #tpu.memory_space<vmem>>) target(%dma_start3A_204 : memref<100000x8xf32, #tpu.memory_space<vmem_shared>>) offsets(%dma_start3A_201 : memref<128xi32, #tpu.memory_space<vmem>>) semaphore(%arg11 : memref<!tpu.dma_semaphore, #tpu.memory_space<semaphore_mem>>) {add = true}
      %add3A_205 = arith.constant 640 : i32
      %add3A_206 = arith.addi %mul3A_149, %add3A_205 : i32
      %dma_start3A_207 = arith.constant 0 : i32
      %dma_start3A_208 = tpu.memref_slice %arg9[%add3A_206, %dma_start3A_207] : memref<2560x8xf32, #tpu.memory_space<vmem>> -> memref<128x8xf32, #tpu.memory_space<vmem>>
      %dma_start3A_209 = arith.constant 640 : i32
      %dma_start3A_210 = tpu.memref_slice %arg7[%rem3A_113, %dma_start3A_209] : memref<4x1280xi32, #tpu.memory_space<vmem>> -> memref<1x128xi32, #tpu.memory_space<vmem>>
      %dma_start3A_211 = tpu.memref_squeeze %dma_start3A_210 : memref<1x128xi32, #tpu.memory_space<vmem>> -> memref<128xi32, #tpu.memory_space<vmem>>
      %dma_start3A_212 = arith.constant 0 : i32
      %dma_start3A_213 = arith.constant 0 : i32
      %dma_start3A_214 = tpu.memref_slice %arg6[%dma_start3A_212, %dma_start3A_213] : memref<100000x8xf32, #tpu.memory_space<vmem_shared>> -> memref<100000x8xf32, #tpu.memory_space<vmem_shared>>
      tpu.enqueue_indirect_dma source(%dma_start3A_208 : memref<128x8xf32, #tpu.memory_space<vmem>>) target(%dma_start3A_214 : memref<100000x8xf32, #tpu.memory_space<vmem_shared>>) offsets(%dma_start3A_211 : memref<128xi32, #tpu.memory_space<vmem>>) semaphore(%arg11 : memref<!tpu.dma_semaphore, #tpu.memory_space<semaphore_mem>>) {add = true}
      %add3A_215 = arith.constant 768 : i32
      %add3A_216 = arith.addi %mul3A_149, %add3A_215 : i32
      %dma_start3A_217 = arith.constant 0 : i32
      %dma_start3A_218 = tpu.memref_slice %arg9[%add3A_216, %dma_start3A_217] : memref<2560x8xf32, #tpu.memory_space<vmem>> -> memref<128x8xf32, #tpu.memory_space<vmem>>
      %dma_start3A_219 = arith.constant 768 : i32
      %dma_start3A_220 = tpu.memref_slice %arg7[%rem3A_113, %dma_start3A_219] : memref<4x1280xi32, #tpu.memory_space<vmem>> -> memref<1x128xi32, #tpu.memory_space<vmem>>
      %dma_start3A_221 = tpu.memref_squeeze %dma_start3A_220 : memref<1x128xi32, #tpu.memory_space<vmem>> -> memref<128xi32, #tpu.memory_space<vmem>>
      %dma_start3A_222 = arith.constant 0 : i32
      %dma_start3A_223 = arith.constant 0 : i32
      %dma_start3A_224 = tpu.memref_slice %arg6[%dma_start3A_222, %dma_start3A_223] : memref<100000x8xf32, #tpu.memory_space<vmem_shared>> -> memref<100000x8xf32, #tpu.memory_space<vmem_shared>>
      tpu.enqueue_indirect_dma source(%dma_start3A_218 : memref<128x8xf32, #tpu.memory_space<vmem>>) target(%dma_start3A_224 : memref<100000x8xf32, #tpu.memory_space<vmem_shared>>) offsets(%dma_start3A_221 : memref<128xi32, #tpu.memory_space<vmem>>) semaphore(%arg11 : memref<!tpu.dma_semaphore, #tpu.memory_space<semaphore_mem>>) {add = true}
      %add3A_225 = arith.constant 896 : i32
      %add3A_226 = arith.addi %mul3A_149, %add3A_225 : i32
      %dma_start3A_227 = arith.constant 0 : i32
      %dma_start3A_228 = tpu.memref_slice %arg9[%add3A_226, %dma_start3A_227] : memref<2560x8xf32, #tpu.memory_space<vmem>> -> memref<128x8xf32, #tpu.memory_space<vmem>>
      %dma_start3A_229 = arith.constant 896 : i32
      %dma_start3A_230 = tpu.memref_slice %arg7[%rem3A_113, %dma_start3A_229] : memref<4x1280xi32, #tpu.memory_space<vmem>> -> memref<1x128xi32, #tpu.memory_space<vmem>>
      %dma_start3A_231 = tpu.memref_squeeze %dma_start3A_230 : memref<1x128xi32, #tpu.memory_space<vmem>> -> memref<128xi32, #tpu.memory_space<vmem>>
      %dma_start3A_232 = arith.constant 0 : i32
      %dma_start3A_233 = arith.constant 0 : i32
      %dma_start3A_234 = tpu.memref_slice %arg6[%dma_start3A_232, %dma_start3A_233] : memref<100000x8xf32, #tpu.memory_space<vmem_shared>> -> memref<100000x8xf32, #tpu.memory_space<vmem_shared>>
      tpu.enqueue_indirect_dma source(%dma_start3A_228 : memref<128x8xf32, #tpu.memory_space<vmem>>) target(%dma_start3A_234 : memref<100000x8xf32, #tpu.memory_space<vmem_shared>>) offsets(%dma_start3A_231 : memref<128xi32, #tpu.memory_space<vmem>>) semaphore(%arg11 : memref<!tpu.dma_semaphore, #tpu.memory_space<semaphore_mem>>) {add = true}
      %add3A_235 = arith.constant 1024 : i32
      %add3A_236 = arith.addi %mul3A_149, %add3A_235 : i32
      %dma_start3A_237 = arith.constant 0 : i32
      %dma_start3A_238 = tpu.memref_slice %arg9[%add3A_236, %dma_start3A_237] : memref<2560x8xf32, #tpu.memory_space<vmem>> -> memref<128x8xf32, #tpu.memory_space<vmem>>
      %dma_start3A_239 = arith.constant 1024 : i32
      %dma_start3A_240 = tpu.memref_slice %arg7[%rem3A_113, %dma_start3A_239] : memref<4x1280xi32, #tpu.memory_space<vmem>> -> memref<1x128xi32, #tpu.memory_space<vmem>>
      %dma_start3A_241 = tpu.memref_squeeze %dma_start3A_240 : memref<1x128xi32, #tpu.memory_space<vmem>> -> memref<128xi32, #tpu.memory_space<vmem>>
      %dma_start3A_242 = arith.constant 0 : i32
      %dma_start3A_243 = arith.constant 0 : i32
      %dma_start3A_244 = tpu.memref_slice %arg6[%dma_start3A_242, %dma_start3A_243] : memref<100000x8xf32, #tpu.memory_space<vmem_shared>> -> memref<100000x8xf32, #tpu.memory_space<vmem_shared>>
      tpu.enqueue_indirect_dma source(%dma_start3A_238 : memref<128x8xf32, #tpu.memory_space<vmem>>) target(%dma_start3A_244 : memref<100000x8xf32, #tpu.memory_space<vmem_shared>>) offsets(%dma_start3A_241 : memref<128xi32, #tpu.memory_space<vmem>>) semaphore(%arg11 : memref<!tpu.dma_semaphore, #tpu.memory_space<semaphore_mem>>) {add = true}
      %add3A_245 = arith.constant 1152 : i32
      %add3A_246 = arith.addi %mul3A_149, %add3A_245 : i32
      %dma_start3A_247 = arith.constant 0 : i32
      %dma_start3A_248 = tpu.memref_slice %arg9[%add3A_246, %dma_start3A_247] : memref<2560x8xf32, #tpu.memory_space<vmem>> -> memref<128x8xf32, #tpu.memory_space<vmem>>
      %dma_start3A_249 = arith.constant 1152 : i32
      %dma_start3A_250 = tpu.memref_slice %arg7[%rem3A_113, %dma_start3A_249] : memref<4x1280xi32, #tpu.memory_space<vmem>> -> memref<1x128xi32, #tpu.memory_space<vmem>>
      %dma_start3A_251 = tpu.memref_squeeze %dma_start3A_250 : memref<1x128xi32, #tpu.memory_space<vmem>> -> memref<128xi32, #tpu.memory_space<vmem>>
      %dma_start3A_252 = arith.constant 0 : i32
      %dma_start3A_253 = arith.constant 0 : i32
      %dma_start3A_254 = tpu.memref_slice %arg6[%dma_start3A_252, %dma_start3A_253] : memref<100000x8xf32, #tpu.memory_space<vmem_shared>> -> memref<100000x8xf32, #tpu.memory_space<vmem_shared>>
      tpu.enqueue_indirect_dma source(%dma_start3A_248 : memref<128x8xf32, #tpu.memory_space<vmem>>) target(%dma_start3A_254 : memref<100000x8xf32, #tpu.memory_space<vmem_shared>>) offsets(%dma_start3A_251 : memref<128xi32, #tpu.memory_space<vmem>>) semaphore(%arg11 : memref<!tpu.dma_semaphore, #tpu.memory_space<semaphore_mem>>) {add = true}
    }
    %while3A_92 = arith.constant 1 : i32
    scf.for %while3A_109 = %while3A_90 to %while3A_86 step %while3A_92  : i32 {
      %rem3A_110 = arith.constant 2 : i32
      %rem3A_111 = arith.remsi %while3A_109, %rem3A_110 : i32
      %rem3A_112 = arith.constant 4 : i32
      %rem3A_113 = arith.remsi %while3A_109, %rem3A_112 : i32
      %dma_wait3A = arith.constant 0 : i32
      %dma_wait3A_114 = tpu.memref_slice %arg7[%rem3A_113, %dma_wait3A] : memref<4x1280xi32, #tpu.memory_space<vmem>> -> memref<1x1280xi32, #tpu.memory_space<vmem>>
      %dma_wait3A_115 = tpu.memref_squeeze %dma_wait3A_114 : memref<1x1280xi32, #tpu.memory_space<vmem>> -> memref<1280xi32, #tpu.memory_space<vmem>>
      %dma_wait3A_116 = arith.constant 0 : i32
      %dma_wait3A_117 = tpu.memref_slice %arg2[%dma_wait3A_116] : memref<3200000xi32, #tpu.memory_space<hbm>> -> memref<1280xi32, #tpu.memory_space<hbm>>
      %dma_wait3A_118 = arith.constant 0 : i32
      %dma_wait3A_119 = tpu.memref_slice %arg7[%rem3A_113, %dma_wait3A_118] : memref<4x1280xi32, #tpu.memory_space<vmem>> -> memref<1x1280xi32, #tpu.memory_space<vmem>>
      %dma_wait3A_120 = tpu.memref_squeeze %dma_wait3A_119 : memref<1x1280xi32, #tpu.memory_space<vmem>> -> memref<1280xi32, #tpu.memory_space<vmem>>
      %dma_wait3A_121 = arith.constant 0 : i32
      %dma_wait3A_122 = tpu.memref_slice %arg2[%dma_wait3A_121] : memref<3200000xi32, #tpu.memory_space<hbm>> -> memref<1280xi32, #tpu.memory_space<hbm>>
      tpu.wait_dma2 semaphore(%arg10 : memref<!tpu.dma_semaphore, #tpu.memory_space<semaphore_mem>>) src(%dma_wait3A_122 : memref<1280xi32, #tpu.memory_space<hbm>>) dst(%dma_wait3A_120 : memref<1280xi32, #tpu.memory_space<vmem>>)
      %dma_wait3A_123 = arith.constant 0 : i32
      %dma_wait3A_124 = arith.constant 0 : i32
      %dma_wait3A_125 = arith.constant 0 : i32
      %dma_wait3A_126 = tpu.memref_slice %arg8[%rem3A_111, %dma_wait3A_123, %dma_wait3A_124, %dma_wait3A_125] : memref<2x10x8x128xf32, #tpu.memory_space<vmem>> -> memref<1x10x8x128xf32, #tpu.memory_space<vmem>>
      %dma_wait3A_127 = tpu.memref_squeeze %dma_wait3A_126 : memref<1x10x8x128xf32, #tpu.memory_space<vmem>> -> memref<10x8x128xf32, #tpu.memory_space<vmem>>
      %dma_wait3A_128 = arith.constant 0 : i32
      %dma_wait3A_129 = arith.constant 0 : i32
      %dma_wait3A_130 = arith.constant 0 : i32
      %dma_wait3A_131 = tpu.memref_slice %arg3[%dma_wait3A_128, %dma_wait3A_129, %dma_wait3A_130] : memref<25000x8x128xf32, #tpu.memory_space<hbm>> -> memref<10x8x128xf32, #tpu.memory_space<hbm>>
      %dma_wait3A_132 = arith.constant 0 : i32
      %dma_wait3A_133 = arith.constant 0 : i32
      %dma_wait3A_134 = arith.constant 0 : i32
      %dma_wait3A_135 = tpu.memref_slice %arg8[%rem3A_111, %dma_wait3A_132, %dma_wait3A_133, %dma_wait3A_134] : memref<2x10x8x128xf32, #tpu.memory_space<vmem>> -> memref<1x10x8x128xf32, #tpu.memory_space<vmem>>
      %dma_wait3A_136 = tpu.memref_squeeze %dma_wait3A_135 : memref<1x10x8x128xf32, #tpu.memory_space<vmem>> -> memref<10x8x128xf32, #tpu.memory_space<vmem>>
      %dma_wait3A_137 = arith.constant 0 : i32
      %dma_wait3A_138 = arith.constant 0 : i32
      %dma_wait3A_139 = arith.constant 0 : i32
      %dma_wait3A_140 = tpu.memref_slice %arg3[%dma_wait3A_137, %dma_wait3A_138, %dma_wait3A_139] : memref<25000x8x128xf32, #tpu.memory_space<hbm>> -> memref<10x8x128xf32, #tpu.memory_space<hbm>>
      tpu.wait_dma2 semaphore(%arg10 : memref<!tpu.dma_semaphore, #tpu.memory_space<semaphore_mem>>) src(%dma_wait3A_140 : memref<10x8x128xf32, #tpu.memory_space<hbm>>) dst(%dma_wait3A_136 : memref<10x8x128xf32, #tpu.memory_space<vmem>>)
      %ge3A = arith.constant 2 : i32
      %ge3A_141 = arith.cmpi sge, %while3A_109, %ge3A : i32
      %convert_element_type3A = arith.extui %ge3A_141 : i1 to i32
      %cond3A = arith.constant 0 : i32
      %cond3A_142 = arith.cmpi ne, %convert_element_type3A, %cond3A : i32
      scf.if %cond3A_142 {
        %dma_wait3A_255 = arith.constant 0 : i32
        %dma_wait3A_256 = arith.constant 0 : i32
        %dma_wait3A_257 = tpu.memref_slice %arg9[%dma_wait3A_255, %dma_wait3A_256] : memref<2560x8xf32, #tpu.memory_space<vmem>> -> memref<128x8xf32, #tpu.memory_space<vmem>>
        %dma_wait3A_258 = arith.constant 0 : i32
        %dma_wait3A_259 = tpu.memref_slice %arg7[%rem3A_113, %dma_wait3A_258] : memref<4x1280xi32, #tpu.memory_space<vmem>> -> memref<1x128xi32, #tpu.memory_space<vmem>>
        %dma_wait3A_260 = tpu.memref_squeeze %dma_wait3A_259 : memref<1x128xi32, #tpu.memory_space<vmem>> -> memref<128xi32, #tpu.memory_space<vmem>>
        %dma_wait3A_261 = arith.constant 0 : i32
        %dma_wait3A_262 = arith.constant 0 : i32
        %dma_wait3A_263 = tpu.memref_slice %arg6[%dma_wait3A_261, %dma_wait3A_262] : memref<100000x8xf32, #tpu.memory_space<vmem_shared>> -> memref<100000x8xf32, #tpu.memory_space<vmem_shared>>
        tpu.wait_indirect_dma semaphore(%arg11 : memref<!tpu.dma_semaphore, #tpu.memory_space<semaphore_mem>>) src(%dma_wait3A_257 : memref<128x8xf32, #tpu.memory_space<vmem>>) dst(%dma_wait3A_263 : memref<100000x8xf32, #tpu.memory_space<vmem_shared>>)
        %dma_wait3A_264 = arith.constant 128 : i32
        %dma_wait3A_265 = arith.constant 0 : i32
        %dma_wait3A_266 = tpu.memref_slice %arg9[%dma_wait3A_264, %dma_wait3A_265] : memref<2560x8xf32, #tpu.memory_space<vmem>> -> memref<128x8xf32, #tpu.memory_space<vmem>>
        %dma_wait3A_267 = arith.constant 128 : i32
        %dma_wait3A_268 = tpu.memref_slice %arg7[%rem3A_113, %dma_wait3A_267] : memref<4x1280xi32, #tpu.memory_space<vmem>> -> memref<1x128xi32, #tpu.memory_space<vmem>>
        %dma_wait3A_269 = tpu.memref_squeeze %dma_wait3A_268 : memref<1x128xi32, #tpu.memory_space<vmem>> -> memref<128xi32, #tpu.memory_space<vmem>>
        %dma_wait3A_270 = arith.constant 0 : i32
        %dma_wait3A_271 = arith.constant 0 : i32
        %dma_wait3A_272 = tpu.memref_slice %arg6[%dma_wait3A_270, %dma_wait3A_271] : memref<100000x8xf32, #tpu.memory_space<vmem_shared>> -> memref<100000x8xf32, #tpu.memory_space<vmem_shared>>
        tpu.wait_indirect_dma semaphore(%arg11 : memref<!tpu.dma_semaphore, #tpu.memory_space<semaphore_mem>>) src(%dma_wait3A_266 : memref<128x8xf32, #tpu.memory_space<vmem>>) dst(%dma_wait3A_272 : memref<100000x8xf32, #tpu.memory_space<vmem_shared>>)
        %dma_wait3A_273 = arith.constant 256 : i32
        %dma_wait3A_274 = arith.constant 0 : i32
        %dma_wait3A_275 = tpu.memref_slice %arg9[%dma_wait3A_273, %dma_wait3A_274] : memref<2560x8xf32, #tpu.memory_space<vmem>> -> memref<128x8xf32, #tpu.memory_space<vmem>>
        %dma_wait3A_276 = arith.constant 256 : i32
        %dma_wait3A_277 = tpu.memref_slice %arg7[%rem3A_113, %dma_wait3A_276] : memref<4x1280xi32, #tpu.memory_space<vmem>> -> memref<1x128xi32, #tpu.memory_space<vmem>>
        %dma_wait3A_278 = tpu.memref_squeeze %dma_wait3A_277 : memref<1x128xi32, #tpu.memory_space<vmem>> -> memref<128xi32, #tpu.memory_space<vmem>>
        %dma_wait3A_279 = arith.constant 0 : i32
        %dma_wait3A_280 = arith.constant 0 : i32
        %dma_wait3A_281 = tpu.memref_slice %arg6[%dma_wait3A_279, %dma_wait3A_280] : memref<100000x8xf32, #tpu.memory_space<vmem_shared>> -> memref<100000x8xf32, #tpu.memory_space<vmem_shared>>
        tpu.wait_indirect_dma semaphore(%arg11 : memref<!tpu.dma_semaphore, #tpu.memory_space<semaphore_mem>>) src(%dma_wait3A_275 : memref<128x8xf32, #tpu.memory_space<vmem>>) dst(%dma_wait3A_281 : memref<100000x8xf32, #tpu.memory_space<vmem_shared>>)
        %dma_wait3A_282 = arith.constant 384 : i32
        %dma_wait3A_283 = arith.constant 0 : i32
        %dma_wait3A_284 = tpu.memref_slice %arg9[%dma_wait3A_282, %dma_wait3A_283] : memref<2560x8xf32, #tpu.memory_space<vmem>> -> memref<128x8xf32, #tpu.memory_space<vmem>>
        %dma_wait3A_285 = arith.constant 384 : i32
        %dma_wait3A_286 = tpu.memref_slice %arg7[%rem3A_113, %dma_wait3A_285] : memref<4x1280xi32, #tpu.memory_space<vmem>> -> memref<1x128xi32, #tpu.memory_space<vmem>>
        %dma_wait3A_287 = tpu.memref_squeeze %dma_wait3A_286 : memref<1x128xi32, #tpu.memory_space<vmem>> -> memref<128xi32, #tpu.memory_space<vmem>>
        %dma_wait3A_288 = arith.constant 0 : i32
        %dma_wait3A_289 = arith.constant 0 : i32
        %dma_wait3A_290 = tpu.memref_slice %arg6[%dma_wait3A_288, %dma_wait3A_289] : memref<100000x8xf32, #tpu.memory_space<vmem_shared>> -> memref<100000x8xf32, #tpu.memory_space<vmem_shared>>
        tpu.wait_indirect_dma semaphore(%arg11 : memref<!tpu.dma_semaphore, #tpu.memory_space<semaphore_mem>>) src(%dma_wait3A_284 : memref<128x8xf32, #tpu.memory_space<vmem>>) dst(%dma_wait3A_290 : memref<100000x8xf32, #tpu.memory_space<vmem_shared>>)
        %dma_wait3A_291 = arith.constant 512 : i32
        %dma_wait3A_292 = arith.constant 0 : i32
        %dma_wait3A_293 = tpu.memref_slice %arg9[%dma_wait3A_291, %dma_wait3A_292] : memref<2560x8xf32, #tpu.memory_space<vmem>> -> memref<128x8xf32, #tpu.memory_space<vmem>>
        %dma_wait3A_294 = arith.constant 512 : i32
        %dma_wait3A_295 = tpu.memref_slice %arg7[%rem3A_113, %dma_wait3A_294] : memref<4x1280xi32, #tpu.memory_space<vmem>> -> memref<1x128xi32, #tpu.memory_space<vmem>>
        %dma_wait3A_296 = tpu.memref_squeeze %dma_wait3A_295 : memref<1x128xi32, #tpu.memory_space<vmem>> -> memref<128xi32, #tpu.memory_space<vmem>>
        %dma_wait3A_297 = arith.constant 0 : i32
        %dma_wait3A_298 = arith.constant 0 : i32
        %dma_wait3A_299 = tpu.memref_slice %arg6[%dma_wait3A_297, %dma_wait3A_298] : memref<100000x8xf32, #tpu.memory_space<vmem_shared>> -> memref<100000x8xf32, #tpu.memory_space<vmem_shared>>
        tpu.wait_indirect_dma semaphore(%arg11 : memref<!tpu.dma_semaphore, #tpu.memory_space<semaphore_mem>>) src(%dma_wait3A_293 : memref<128x8xf32, #tpu.memory_space<vmem>>) dst(%dma_wait3A_299 : memref<100000x8xf32, #tpu.memory_space<vmem_shared>>)
        %dma_wait3A_300 = arith.constant 640 : i32
        %dma_wait3A_301 = arith.constant 0 : i32
        %dma_wait3A_302 = tpu.memref_slice %arg9[%dma_wait3A_300, %dma_wait3A_301] : memref<2560x8xf32, #tpu.memory_space<vmem>> -> memref<128x8xf32, #tpu.memory_space<vmem>>
        %dma_wait3A_303 = arith.constant 640 : i32
        %dma_wait3A_304 = tpu.memref_slice %arg7[%rem3A_113, %dma_wait3A_303] : memref<4x1280xi32, #tpu.memory_space<vmem>> -> memref<1x128xi32, #tpu.memory_space<vmem>>
        %dma_wait3A_305 = tpu.memref_squeeze %dma_wait3A_304 : memref<1x128xi32, #tpu.memory_space<vmem>> -> memref<128xi32, #tpu.memory_space<vmem>>
        %dma_wait3A_306 = arith.constant 0 : i32
        %dma_wait3A_307 = arith.constant 0 : i32
        %dma_wait3A_308 = tpu.memref_slice %arg6[%dma_wait3A_306, %dma_wait3A_307] : memref<100000x8xf32, #tpu.memory_space<vmem_shared>> -> memref<100000x8xf32, #tpu.memory_space<vmem_shared>>
        tpu.wait_indirect_dma semaphore(%arg11 : memref<!tpu.dma_semaphore, #tpu.memory_space<semaphore_mem>>) src(%dma_wait3A_302 : memref<128x8xf32, #tpu.memory_space<vmem>>) dst(%dma_wait3A_308 : memref<100000x8xf32, #tpu.memory_space<vmem_shared>>)
        %dma_wait3A_309 = arith.constant 768 : i32
        %dma_wait3A_310 = arith.constant 0 : i32
        %dma_wait3A_311 = tpu.memref_slice %arg9[%dma_wait3A_309, %dma_wait3A_310] : memref<2560x8xf32, #tpu.memory_space<vmem>> -> memref<128x8xf32, #tpu.memory_space<vmem>>
        %dma_wait3A_312 = arith.constant 768 : i32
        %dma_wait3A_313 = tpu.memref_slice %arg7[%rem3A_113, %dma_wait3A_312] : memref<4x1280xi32, #tpu.memory_space<vmem>> -> memref<1x128xi32, #tpu.memory_space<vmem>>
        %dma_wait3A_314 = tpu.memref_squeeze %dma_wait3A_313 : memref<1x128xi32, #tpu.memory_space<vmem>> -> memref<128xi32, #tpu.memory_space<vmem>>
        %dma_wait3A_315 = arith.constant 0 : i32
        %dma_wait3A_316 = arith.constant 0 : i32
        %dma_wait3A_317 = tpu.memref_slice %arg6[%dma_wait3A_315, %dma_wait3A_316] : memref<100000x8xf32, #tpu.memory_space<vmem_shared>> -> memref<100000x8xf32, #tpu.memory_space<vmem_shared>>
        tpu.wait_indirect_dma semaphore(%arg11 : memref<!tpu.dma_semaphore, #tpu.memory_space<semaphore_mem>>) src(%dma_wait3A_311 : memref<128x8xf32, #tpu.memory_space<vmem>>) dst(%dma_wait3A_317 : memref<100000x8xf32, #tpu.memory_space<vmem_shared>>)
        %dma_wait3A_318 = arith.constant 896 : i32
        %dma_wait3A_319 = arith.constant 0 : i32
        %dma_wait3A_320 = tpu.memref_slice %arg9[%dma_wait3A_318, %dma_wait3A_319] : memref<2560x8xf32, #tpu.memory_space<vmem>> -> memref<128x8xf32, #tpu.memory_space<vmem>>
        %dma_wait3A_321 = arith.constant 896 : i32
        %dma_wait3A_322 = tpu.memref_slice %arg7[%rem3A_113, %dma_wait3A_321] : memref<4x1280xi32, #tpu.memory_space<vmem>> -> memref<1x128xi32, #tpu.memory_space<vmem>>
        %dma_wait3A_323 = tpu.memref_squeeze %dma_wait3A_322 : memref<1x128xi32, #tpu.memory_space<vmem>> -> memref<128xi32, #tpu.memory_space<vmem>>
        %dma_wait3A_324 = arith.constant 0 : i32
        %dma_wait3A_325 = arith.constant 0 : i32
        %dma_wait3A_326 = tpu.memref_slice %arg6[%dma_wait3A_324, %dma_wait3A_325] : memref<100000x8xf32, #tpu.memory_space<vmem_shared>> -> memref<100000x8xf32, #tpu.memory_space<vmem_shared>>
        tpu.wait_indirect_dma semaphore(%arg11 : memref<!tpu.dma_semaphore, #tpu.memory_space<semaphore_mem>>) src(%dma_wait3A_320 : memref<128x8xf32, #tpu.memory_space<vmem>>) dst(%dma_wait3A_326 : memref<100000x8xf32, #tpu.memory_space<vmem_shared>>)
        %dma_wait3A_327 = arith.constant 1024 : i32
        %dma_wait3A_328 = arith.constant 0 : i32
        %dma_wait3A_329 = tpu.memref_slice %arg9[%dma_wait3A_327, %dma_wait3A_328] : memref<2560x8xf32, #tpu.memory_space<vmem>> -> memref<128x8xf32, #tpu.memory_space<vmem>>
        %dma_wait3A_330 = arith.constant 1024 : i32
        %dma_wait3A_331 = tpu.memref_slice %arg7[%rem3A_113, %dma_wait3A_330] : memref<4x1280xi32, #tpu.memory_space<vmem>> -> memref<1x128xi32, #tpu.memory_space<vmem>>
        %dma_wait3A_332 = tpu.memref_squeeze %dma_wait3A_331 : memref<1x128xi32, #tpu.memory_space<vmem>> -> memref<128xi32, #tpu.memory_space<vmem>>
        %dma_wait3A_333 = arith.constant 0 : i32
        %dma_wait3A_334 = arith.constant 0 : i32
        %dma_wait3A_335 = tpu.memref_slice %arg6[%dma_wait3A_333, %dma_wait3A_334] : memref<100000x8xf32, #tpu.memory_space<vmem_shared>> -> memref<100000x8xf32, #tpu.memory_space<vmem_shared>>
        tpu.wait_indirect_dma semaphore(%arg11 : memref<!tpu.dma_semaphore, #tpu.memory_space<semaphore_mem>>) src(%dma_wait3A_329 : memref<128x8xf32, #tpu.memory_space<vmem>>) dst(%dma_wait3A_335 : memref<100000x8xf32, #tpu.memory_space<vmem_shared>>)
        %dma_wait3A_336 = arith.constant 1152 : i32
        %dma_wait3A_337 = arith.constant 0 : i32
        %dma_wait3A_338 = tpu.memref_slice %arg9[%dma_wait3A_336, %dma_wait3A_337] : memref<2560x8xf32, #tpu.memory_space<vmem>> -> memref<128x8xf32, #tpu.memory_space<vmem>>
        %dma_wait3A_339 = arith.constant 1152 : i32
        %dma_wait3A_340 = tpu.memref_slice %arg7[%rem3A_113, %dma_wait3A_339] : memref<4x1280xi32, #tpu.memory_space<vmem>> -> memref<1x128xi32, #tpu.memory_space<vmem>>
        %dma_wait3A_341 = tpu.memref_squeeze %dma_wait3A_340 : memref<1x128xi32, #tpu.memory_space<vmem>> -> memref<128xi32, #tpu.memory_space<vmem>>
        %dma_wait3A_342 = arith.constant 0 : i32
        %dma_wait3A_343 = arith.constant 0 : i32
        %dma_wait3A_344 = tpu.memref_slice %arg6[%dma_wait3A_342, %dma_wait3A_343] : memref<100000x8xf32, #tpu.memory_space<vmem_shared>> -> memref<100000x8xf32, #tpu.memory_space<vmem_shared>>
        tpu.wait_indirect_dma semaphore(%arg11 : memref<!tpu.dma_semaphore, #tpu.memory_space<semaphore_mem>>) src(%dma_wait3A_338 : memref<128x8xf32, #tpu.memory_space<vmem>>) dst(%dma_wait3A_344 : memref<100000x8xf32, #tpu.memory_space<vmem_shared>>)
      } else {
      }
      %add3A_143 = arith.constant 1 : i32
      %add3A_144 = arith.addi %while3A_109, %add3A_143 : i32
      %lt3A = arith.cmpi slt, %add3A_144, %select_n3A : i32
      %convert_element_type3A_145 = arith.extui %lt3A : i1 to i32
      %cond3A_146 = arith.constant 0 : i32
      %cond3A_147 = arith.cmpi ne, %convert_element_type3A_145, %cond3A_146 : i32
      scf.if %cond3A_147 {
        %add3A_255 = arith.constant 1 : i32
        %add3A_256 = arith.addi %while3A_109, %add3A_255 : i32
        %mul3A_257 = arith.constant 32 : i32
        %mul3A_258 = arith.muli %add3A_256, %mul3A_257 : i32
        %add3A_259 = arith.addi %add3A, %mul3A_258 : i32
        %rem3A_260 = arith.constant 2 : i32
        %rem3A_261 = arith.remsi %add3A_256, %rem3A_260 : i32
        %rem3A_262 = arith.constant 4 : i32
        %rem3A_263 = arith.remsi %add3A_256, %rem3A_262 : i32
        %mul3A_264 = arith.constant 1280 : i32
        %mul3A_265 = arith.muli %add3A_259, %mul3A_264 : i32
        %dma_start3A_266 = arith.constant 0 : i32
        %dma_start3A_267 = tpu.memref_slice %arg7[%rem3A_263, %dma_start3A_266] : memref<4x1280xi32, #tpu.memory_space<vmem>> -> memref<1x1280xi32, #tpu.memory_space<vmem>>
        %dma_start3A_268 = tpu.memref_squeeze %dma_start3A_267 : memref<1x1280xi32, #tpu.memory_space<vmem>> -> memref<1280xi32, #tpu.memory_space<vmem>>
        %dma_start3A_269 = tpu.memref_slice %arg2[%mul3A_265] : memref<3200000xi32, #tpu.memory_space<hbm>> -> memref<1280xi32, #tpu.memory_space<hbm>>
        %dma_start3A_270 = arith.constant 0 : i32
        %dma_start3A_271 = tpu.memref_slice %arg7[%rem3A_263, %dma_start3A_270] : memref<4x1280xi32, #tpu.memory_space<vmem>> -> memref<1x1280xi32, #tpu.memory_space<vmem>>
        %dma_start3A_272 = tpu.memref_squeeze %dma_start3A_271 : memref<1x1280xi32, #tpu.memory_space<vmem>> -> memref<1280xi32, #tpu.memory_space<vmem>>
        %dma_start3A_273 = tpu.memref_slice %arg2[%mul3A_265] : memref<3200000xi32, #tpu.memory_space<hbm>> -> memref<1280xi32, #tpu.memory_space<hbm>>
        tpu.enqueue_dma source(%dma_start3A_273 : memref<1280xi32, #tpu.memory_space<hbm>>) target(%dma_start3A_272 : memref<1280xi32, #tpu.memory_space<vmem>>) target_semaphore(%arg10 : memref<!tpu.dma_semaphore, #tpu.memory_space<semaphore_mem>>)
        %mul3A_274 = arith.constant 10 : i32
        %mul3A_275 = arith.muli %add3A_259, %mul3A_274 : i32
        %dma_start3A_276 = arith.constant 0 : i32
        %dma_start3A_277 = arith.constant 0 : i32
        %dma_start3A_278 = arith.constant 0 : i32
        %dma_start3A_279 = tpu.memref_slice %arg8[%rem3A_261, %dma_start3A_276, %dma_start3A_277, %dma_start3A_278] : memref<2x10x8x128xf32, #tpu.memory_space<vmem>> -> memref<1x10x8x128xf32, #tpu.memory_space<vmem>>
        %dma_start3A_280 = tpu.memref_squeeze %dma_start3A_279 : memref<1x10x8x128xf32, #tpu.memory_space<vmem>> -> memref<10x8x128xf32, #tpu.memory_space<vmem>>
        %dma_start3A_281 = arith.constant 0 : i32
        %dma_start3A_282 = arith.constant 0 : i32
        %dma_start3A_283 = tpu.memref_slice %arg3[%mul3A_275, %dma_start3A_281, %dma_start3A_282] : memref<25000x8x128xf32, #tpu.memory_space<hbm>> -> memref<10x8x128xf32, #tpu.memory_space<hbm>>
        %dma_start3A_284 = arith.constant 0 : i32
        %dma_start3A_285 = arith.constant 0 : i32
        %dma_start3A_286 = arith.constant 0 : i32
        %dma_start3A_287 = tpu.memref_slice %arg8[%rem3A_261, %dma_start3A_284, %dma_start3A_285, %dma_start3A_286] : memref<2x10x8x128xf32, #tpu.memory_space<vmem>> -> memref<1x10x8x128xf32, #tpu.memory_space<vmem>>
        %dma_start3A_288 = tpu.memref_squeeze %dma_start3A_287 : memref<1x10x8x128xf32, #tpu.memory_space<vmem>> -> memref<10x8x128xf32, #tpu.memory_space<vmem>>
        %dma_start3A_289 = arith.constant 0 : i32
        %dma_start3A_290 = arith.constant 0 : i32
        %dma_start3A_291 = tpu.memref_slice %arg3[%mul3A_275, %dma_start3A_289, %dma_start3A_290] : memref<25000x8x128xf32, #tpu.memory_space<hbm>> -> memref<10x8x128xf32, #tpu.memory_space<hbm>>
        tpu.enqueue_dma source(%dma_start3A_291 : memref<10x8x128xf32, #tpu.memory_space<hbm>>) target(%dma_start3A_288 : memref<10x8x128xf32, #tpu.memory_space<vmem>>) target_semaphore(%arg10 : memref<!tpu.dma_semaphore, #tpu.memory_space<semaphore_mem>>)
      } else {
      }
      %mul3A_148 = arith.constant 1280 : i32
      %mul3A_149 = arith.muli %rem3A_111, %mul3A_148 : i32
      %scan3A = arith.constant 0 : i32
      %scan3A_150 = arith.constant 0 : i32
      %scan3A_151 = arith.constant 80 : i32
      %scan3A_152 = arith.addi %scan3A_150, %scan3A_151 : i32
      %scan3A_153 = arith.constant 1 : i32
      scf.for %scan3A_255 = %scan3A_150 to %scan3A_152 step %scan3A_153  : i32 {
        %shift_right_arithmetic3A = arith.constant 3 : i32
        %shift_right_arithmetic3A_256 = arith.shrsi %scan3A_255, %shift_right_arithmetic3A : i32
        %and3A_257 = arith.constant 7 : i32
        %and3A_258 = arith.andi %scan3A_255, %and3A_257 : i32
        %broadcast_in_dim3A = vector.broadcast %and3A_258 : i32 to vector<16xi32>
        %mul3A_259 = arith.constant 128 : i32
        %mul3A_260 = arith.muli %shift_right_arithmetic3A_256, %mul3A_259 : i32
        %add3A_261 = arith.addi %mul3A_149, %mul3A_260 : i32
        %get3A = arith.index_cast %rem3A_111 : i32 to index
        %get3A_262 = arith.index_cast %shift_right_arithmetic3A_256 : i32 to index
        %get3A_263 = arith.index_cast %and3A_258 : i32 to index
        %get3A_264 = arith.constant 0 : index
        %get3A_265 = tpu.vector_load %arg8[%get3A, %get3A_262, %get3A_263, %get3A_264] {strides = array<i32>} : memref<2x10x8x128xf32, #tpu.memory_space<vmem>>, vector<16xf32>,
        %add3A_266 = vector.broadcast %add3A_261 : i32 to vector<16xi32>
        %add3A_267 = arith.addi %add3A_266, %add3A_27 : vector<16xi32>
        tpu.vector_store_idx %arg9[%add3A_267, %broadcast_in_dim3A], %get3A_265 : memref<2560x8xf32, #tpu.memory_space<vmem>>[vector<16xi32>, vector<16xi32>], vector<16xf32>,
        %get3A_268 = arith.index_cast %rem3A_111 : i32 to index
        %get3A_269 = arith.index_cast %shift_right_arithmetic3A_256 : i32 to index
        %get3A_270 = arith.index_cast %and3A_258 : i32 to index
        %get3A_271 = arith.constant 16 : index
        %get3A_272 = tpu.vector_load %arg8[%get3A_268, %get3A_269, %get3A_270, %get3A_271] {strides = array<i32>} : memref<2x10x8x128xf32, #tpu.memory_space<vmem>>, vector<16xf32>,
        %add3A_273 = vector.broadcast %add3A_261 : i32 to vector<16xi32>
        %add3A_274 = arith.addi %add3A_273, %add3A_30 : vector<16xi32>
        tpu.vector_store_idx %arg9[%add3A_274, %broadcast_in_dim3A], %get3A_272 : memref<2560x8xf32, #tpu.memory_space<vmem>>[vector<16xi32>, vector<16xi32>], vector<16xf32>,
        %get3A_275 = arith.index_cast %rem3A_111 : i32 to index
        %get3A_276 = arith.index_cast %shift_right_arithmetic3A_256 : i32 to index
        %get3A_277 = arith.index_cast %and3A_258 : i32 to index
        %get3A_278 = arith.constant 32 : index
        %get3A_279 = tpu.vector_load %arg8[%get3A_275, %get3A_276, %get3A_277, %get3A_278] {strides = array<i32>} : memref<2x10x8x128xf32, #tpu.memory_space<vmem>>, vector<16xf32>,
        %add3A_280 = vector.broadcast %add3A_261 : i32 to vector<16xi32>
        %add3A_281 = arith.addi %add3A_280, %add3A_33 : vector<16xi32>
        tpu.vector_store_idx %arg9[%add3A_281, %broadcast_in_dim3A], %get3A_279 : memref<2560x8xf32, #tpu.memory_space<vmem>>[vector<16xi32>, vector<16xi32>], vector<16xf32>,
        %get3A_282 = arith.index_cast %rem3A_111 : i32 to index
        %get3A_283 = arith.index_cast %shift_right_arithmetic3A_256 : i32 to index
        %get3A_284 = arith.index_cast %and3A_258 : i32 to index
        %get3A_285 = arith.constant 48 : index
        %get3A_286 = tpu.vector_load %arg8[%get3A_282, %get3A_283, %get3A_284, %get3A_285] {strides = array<i32>} : memref<2x10x8x128xf32, #tpu.memory_space<vmem>>, vector<16xf32>,
        %add3A_287 = vector.broadcast %add3A_261 : i32 to vector<16xi32>
        %add3A_288 = arith.addi %add3A_287, %add3A_36 : vector<16xi32>
        tpu.vector_store_idx %arg9[%add3A_288, %broadcast_in_dim3A], %get3A_286 : memref<2560x8xf32, #tpu.memory_space<vmem>>[vector<16xi32>, vector<16xi32>], vector<16xf32>,
        %get3A_289 = arith.index_cast %rem3A_111 : i32 to index
        %get3A_290 = arith.index_cast %shift_right_arithmetic3A_256 : i32 to index
        %get3A_291 = arith.index_cast %and3A_258 : i32 to index
        %get3A_292 = arith.constant 64 : index
        %get3A_293 = tpu.vector_load %arg8[%get3A_289, %get3A_290, %get3A_291, %get3A_292] {strides = array<i32>} : memref<2x10x8x128xf32, #tpu.memory_space<vmem>>, vector<16xf32>,
        %add3A_294 = vector.broadcast %add3A_261 : i32 to vector<16xi32>
        %add3A_295 = arith.addi %add3A_294, %add3A_39 : vector<16xi32>
        tpu.vector_store_idx %arg9[%add3A_295, %broadcast_in_dim3A], %get3A_293 : memref<2560x8xf32, #tpu.memory_space<vmem>>[vector<16xi32>, vector<16xi32>], vector<16xf32>,
        %get3A_296 = arith.index_cast %rem3A_111 : i32 to index
        %get3A_297 = arith.index_cast %shift_right_arithmetic3A_256 : i32 to index
        %get3A_298 = arith.index_cast %and3A_258 : i32 to index
        %get3A_299 = arith.constant 80 : index
        %get3A_300 = tpu.vector_load %arg8[%get3A_296, %get3A_297, %get3A_298, %get3A_299] {strides = array<i32>} : memref<2x10x8x128xf32, #tpu.memory_space<vmem>>, vector<16xf32>,
        %add3A_301 = vector.broadcast %add3A_261 : i32 to vector<16xi32>
        %add3A_302 = arith.addi %add3A_301, %add3A_42 : vector<16xi32>
        tpu.vector_store_idx %arg9[%add3A_302, %broadcast_in_dim3A], %get3A_300 : memref<2560x8xf32, #tpu.memory_space<vmem>>[vector<16xi32>, vector<16xi32>], vector<16xf32>,
        %get3A_303 = arith.index_cast %rem3A_111 : i32 to index
        %get3A_304 = arith.index_cast %shift_right_arithmetic3A_256 : i32 to index
        %get3A_305 = arith.index_cast %and3A_258 : i32 to index
        %get3A_306 = arith.constant 96 : index
        %get3A_307 = tpu.vector_load %arg8[%get3A_303, %get3A_304, %get3A_305, %get3A_306] {strides = array<i32>} : memref<2x10x8x128xf32, #tpu.memory_space<vmem>>, vector<16xf32>,
        %add3A_308 = vector.broadcast %add3A_261 : i32 to vector<16xi32>
        %add3A_309 = arith.addi %add3A_308, %add3A_45 : vector<16xi32>
        tpu.vector_store_idx %arg9[%add3A_309, %broadcast_in_dim3A], %get3A_307 : memref<2560x8xf32, #tpu.memory_space<vmem>>[vector<16xi32>, vector<16xi32>], vector<16xf32>,
        %get3A_310 = arith.index_cast %rem3A_111 : i32 to index
        %get3A_311 = arith.index_cast %shift_right_arithmetic3A_256 : i32 to index
        %get3A_312 = arith.index_cast %and3A_258 : i32 to index
        %get3A_313 = arith.constant 112 : index
        %get3A_314 = tpu.vector_load %arg8[%get3A_310, %get3A_311, %get3A_312, %get3A_313] {strides = array<i32>} : memref<2x10x8x128xf32, #tpu.memory_space<vmem>>, vector<16xf32>,
        %add3A_315 = vector.broadcast %add3A_261 : i32 to vector<16xi32>
        %add3A_316 = arith.addi %add3A_315, %add3A_48 : vector<16xi32>
        tpu.vector_store_idx %arg9[%add3A_316, %broadcast_in_dim3A], %get3A_314 : memref<2560x8xf32, #tpu.memory_space<vmem>>[vector<16xi32>, vector<16xi32>], vector<16xf32>,
      }
      %scan3A_154 = arith.constant 80 : i32
      %add3A_155 = arith.constant 0 : i32
      %add3A_156 = arith.addi %mul3A_149, %add3A_155 : i32
      %dma_start3A_157 = arith.constant 0 : i32
      %dma_start3A_158 = tpu.memref_slice %arg9[%add3A_156, %dma_start3A_157] : memref<2560x8xf32, #tpu.memory_space<vmem>> -> memref<128x8xf32, #tpu.memory_space<vmem>>
      %dma_start3A_159 = arith.constant 0 : i32
      %dma_start3A_160 = tpu.memref_slice %arg7[%rem3A_113, %dma_start3A_159] : memref<4x1280xi32, #tpu.memory_space<vmem>> -> memref<1x128xi32, #tpu.memory_space<vmem>>
      %dma_start3A_161 = tpu.memref_squeeze %dma_start3A_160 : memref<1x128xi32, #tpu.memory_space<vmem>> -> memref<128xi32, #tpu.memory_space<vmem>>
      %dma_start3A_162 = arith.constant 0 : i32
      %dma_start3A_163 = arith.constant 0 : i32
      %dma_start3A_164 = tpu.memref_slice %arg6[%dma_start3A_162, %dma_start3A_163] : memref<100000x8xf32, #tpu.memory_space<vmem_shared>> -> memref<100000x8xf32, #tpu.memory_space<vmem_shared>>
      tpu.enqueue_indirect_dma source(%dma_start3A_158 : memref<128x8xf32, #tpu.memory_space<vmem>>) target(%dma_start3A_164 : memref<100000x8xf32, #tpu.memory_space<vmem_shared>>) offsets(%dma_start3A_161 : memref<128xi32, #tpu.memory_space<vmem>>) semaphore(%arg11 : memref<!tpu.dma_semaphore, #tpu.memory_space<semaphore_mem>>) {add = true}
      %add3A_165 = arith.constant 128 : i32
      %add3A_166 = arith.addi %mul3A_149, %add3A_165 : i32
      %dma_start3A_167 = arith.constant 0 : i32
      %dma_start3A_168 = tpu.memref_slice %arg9[%add3A_166, %dma_start3A_167] : memref<2560x8xf32, #tpu.memory_space<vmem>> -> memref<128x8xf32, #tpu.memory_space<vmem>>
      %dma_start3A_169 = arith.constant 128 : i32
      %dma_start3A_170 = tpu.memref_slice %arg7[%rem3A_113, %dma_start3A_169] : memref<4x1280xi32, #tpu.memory_space<vmem>> -> memref<1x128xi32, #tpu.memory_space<vmem>>
      %dma_start3A_171 = tpu.memref_squeeze %dma_start3A_170 : memref<1x128xi32, #tpu.memory_space<vmem>> -> memref<128xi32, #tpu.memory_space<vmem>>
      %dma_start3A_172 = arith.constant 0 : i32
      %dma_start3A_173 = arith.constant 0 : i32
      %dma_start3A_174 = tpu.memref_slice %arg6[%dma_start3A_172, %dma_start3A_173] : memref<100000x8xf32, #tpu.memory_space<vmem_shared>> -> memref<100000x8xf32, #tpu.memory_space<vmem_shared>>
      tpu.enqueue_indirect_dma source(%dma_start3A_168 : memref<128x8xf32, #tpu.memory_space<vmem>>) target(%dma_start3A_174 : memref<100000x8xf32, #tpu.memory_space<vmem_shared>>) offsets(%dma_start3A_171 : memref<128xi32, #tpu.memory_space<vmem>>) semaphore(%arg11 : memref<!tpu.dma_semaphore, #tpu.memory_space<semaphore_mem>>) {add = true}
      %add3A_175 = arith.constant 256 : i32
      %add3A_176 = arith.addi %mul3A_149, %add3A_175 : i32
      %dma_start3A_177 = arith.constant 0 : i32
      %dma_start3A_178 = tpu.memref_slice %arg9[%add3A_176, %dma_start3A_177] : memref<2560x8xf32, #tpu.memory_space<vmem>> -> memref<128x8xf32, #tpu.memory_space<vmem>>
      %dma_start3A_179 = arith.constant 256 : i32
      %dma_start3A_180 = tpu.memref_slice %arg7[%rem3A_113, %dma_start3A_179] : memref<4x1280xi32, #tpu.memory_space<vmem>> -> memref<1x128xi32, #tpu.memory_space<vmem>>
      %dma_start3A_181 = tpu.memref_squeeze %dma_start3A_180 : memref<1x128xi32, #tpu.memory_space<vmem>> -> memref<128xi32, #tpu.memory_space<vmem>>
      %dma_start3A_182 = arith.constant 0 : i32
      %dma_start3A_183 = arith.constant 0 : i32
      %dma_start3A_184 = tpu.memref_slice %arg6[%dma_start3A_182, %dma_start3A_183] : memref<100000x8xf32, #tpu.memory_space<vmem_shared>> -> memref<100000x8xf32, #tpu.memory_space<vmem_shared>>
      tpu.enqueue_indirect_dma source(%dma_start3A_178 : memref<128x8xf32, #tpu.memory_space<vmem>>) target(%dma_start3A_184 : memref<100000x8xf32, #tpu.memory_space<vmem_shared>>) offsets(%dma_start3A_181 : memref<128xi32, #tpu.memory_space<vmem>>) semaphore(%arg11 : memref<!tpu.dma_semaphore, #tpu.memory_space<semaphore_mem>>) {add = true}
      %add3A_185 = arith.constant 384 : i32
      %add3A_186 = arith.addi %mul3A_149, %add3A_185 : i32
      %dma_start3A_187 = arith.constant 0 : i32
      %dma_start3A_188 = tpu.memref_slice %arg9[%add3A_186, %dma_start3A_187] : memref<2560x8xf32, #tpu.memory_space<vmem>> -> memref<128x8xf32, #tpu.memory_space<vmem>>
      %dma_start3A_189 = arith.constant 384 : i32
      %dma_start3A_190 = tpu.memref_slice %arg7[%rem3A_113, %dma_start3A_189] : memref<4x1280xi32, #tpu.memory_space<vmem>> -> memref<1x128xi32, #tpu.memory_space<vmem>>
      %dma_start3A_191 = tpu.memref_squeeze %dma_start3A_190 : memref<1x128xi32, #tpu.memory_space<vmem>> -> memref<128xi32, #tpu.memory_space<vmem>>
      %dma_start3A_192 = arith.constant 0 : i32
      %dma_start3A_193 = arith.constant 0 : i32
      %dma_start3A_194 = tpu.memref_slice %arg6[%dma_start3A_192, %dma_start3A_193] : memref<100000x8xf32, #tpu.memory_space<vmem_shared>> -> memref<100000x8xf32, #tpu.memory_space<vmem_shared>>
      tpu.enqueue_indirect_dma source(%dma_start3A_188 : memref<128x8xf32, #tpu.memory_space<vmem>>) target(%dma_start3A_194 : memref<100000x8xf32, #tpu.memory_space<vmem_shared>>) offsets(%dma_start3A_191 : memref<128xi32, #tpu.memory_space<vmem>>) semaphore(%arg11 : memref<!tpu.dma_semaphore, #tpu.memory_space<semaphore_mem>>) {add = true}
      %add3A_195 = arith.constant 512 : i32
      %add3A_196 = arith.addi %mul3A_149, %add3A_195 : i32
      %dma_start3A_197 = arith.constant 0 : i32
      %dma_start3A_198 = tpu.memref_slice %arg9[%add3A_196, %dma_start3A_197] : memref<2560x8xf32, #tpu.memory_space<vmem>> -> memref<128x8xf32, #tpu.memory_space<vmem>>
      %dma_start3A_199 = arith.constant 512 : i32
      %dma_start3A_200 = tpu.memref_slice %arg7[%rem3A_113, %dma_start3A_199] : memref<4x1280xi32, #tpu.memory_space<vmem>> -> memref<1x128xi32, #tpu.memory_space<vmem>>
      %dma_start3A_201 = tpu.memref_squeeze %dma_start3A_200 : memref<1x128xi32, #tpu.memory_space<vmem>> -> memref<128xi32, #tpu.memory_space<vmem>>
      %dma_start3A_202 = arith.constant 0 : i32
      %dma_start3A_203 = arith.constant 0 : i32
      %dma_start3A_204 = tpu.memref_slice %arg6[%dma_start3A_202, %dma_start3A_203] : memref<100000x8xf32, #tpu.memory_space<vmem_shared>> -> memref<100000x8xf32, #tpu.memory_space<vmem_shared>>
      tpu.enqueue_indirect_dma source(%dma_start3A_198 : memref<128x8xf32, #tpu.memory_space<vmem>>) target(%dma_start3A_204 : memref<100000x8xf32, #tpu.memory_space<vmem_shared>>) offsets(%dma_start3A_201 : memref<128xi32, #tpu.memory_space<vmem>>) semaphore(%arg11 : memref<!tpu.dma_semaphore, #tpu.memory_space<semaphore_mem>>) {add = true}
      %add3A_205 = arith.constant 640 : i32
      %add3A_206 = arith.addi %mul3A_149, %add3A_205 : i32
      %dma_start3A_207 = arith.constant 0 : i32
      %dma_start3A_208 = tpu.memref_slice %arg9[%add3A_206, %dma_start3A_207] : memref<2560x8xf32, #tpu.memory_space<vmem>> -> memref<128x8xf32, #tpu.memory_space<vmem>>
      %dma_start3A_209 = arith.constant 640 : i32
      %dma_start3A_210 = tpu.memref_slice %arg7[%rem3A_113, %dma_start3A_209] : memref<4x1280xi32, #tpu.memory_space<vmem>> -> memref<1x128xi32, #tpu.memory_space<vmem>>
      %dma_start3A_211 = tpu.memref_squeeze %dma_start3A_210 : memref<1x128xi32, #tpu.memory_space<vmem>> -> memref<128xi32, #tpu.memory_space<vmem>>
      %dma_start3A_212 = arith.constant 0 : i32
      %dma_start3A_213 = arith.constant 0 : i32
      %dma_start3A_214 = tpu.memref_slice %arg6[%dma_start3A_212, %dma_start3A_213] : memref<100000x8xf32, #tpu.memory_space<vmem_shared>> -> memref<100000x8xf32, #tpu.memory_space<vmem_shared>>
      tpu.enqueue_indirect_dma source(%dma_start3A_208 : memref<128x8xf32, #tpu.memory_space<vmem>>) target(%dma_start3A_214 : memref<100000x8xf32, #tpu.memory_space<vmem_shared>>) offsets(%dma_start3A_211 : memref<128xi32, #tpu.memory_space<vmem>>) semaphore(%arg11 : memref<!tpu.dma_semaphore, #tpu.memory_space<semaphore_mem>>) {add = true}
      %add3A_215 = arith.constant 768 : i32
      %add3A_216 = arith.addi %mul3A_149, %add3A_215 : i32
      %dma_start3A_217 = arith.constant 0 : i32
      %dma_start3A_218 = tpu.memref_slice %arg9[%add3A_216, %dma_start3A_217] : memref<2560x8xf32, #tpu.memory_space<vmem>> -> memref<128x8xf32, #tpu.memory_space<vmem>>
      %dma_start3A_219 = arith.constant 768 : i32
      %dma_start3A_220 = tpu.memref_slice %arg7[%rem3A_113, %dma_start3A_219] : memref<4x1280xi32, #tpu.memory_space<vmem>> -> memref<1x128xi32, #tpu.memory_space<vmem>>
      %dma_start3A_221 = tpu.memref_squeeze %dma_start3A_220 : memref<1x128xi32, #tpu.memory_space<vmem>> -> memref<128xi32, #tpu.memory_space<vmem>>
      %dma_start3A_222 = arith.constant 0 : i32
      %dma_start3A_223 = arith.constant 0 : i32
      %dma_start3A_224 = tpu.memref_slice %arg6[%dma_start3A_222, %dma_start3A_223] : memref<100000x8xf32, #tpu.memory_space<vmem_shared>> -> memref<100000x8xf32, #tpu.memory_space<vmem_shared>>
      tpu.enqueue_indirect_dma source(%dma_start3A_218 : memref<128x8xf32, #tpu.memory_space<vmem>>) target(%dma_start3A_224 : memref<100000x8xf32, #tpu.memory_space<vmem_shared>>) offsets(%dma_start3A_221 : memref<128xi32, #tpu.memory_space<vmem>>) semaphore(%arg11 : memref<!tpu.dma_semaphore, #tpu.memory_space<semaphore_mem>>) {add = true}
      %add3A_225 = arith.constant 896 : i32
      %add3A_226 = arith.addi %mul3A_149, %add3A_225 : i32
      %dma_start3A_227 = arith.constant 0 : i32
      %dma_start3A_228 = tpu.memref_slice %arg9[%add3A_226, %dma_start3A_227] : memref<2560x8xf32, #tpu.memory_space<vmem>> -> memref<128x8xf32, #tpu.memory_space<vmem>>
      %dma_start3A_229 = arith.constant 896 : i32
      %dma_start3A_230 = tpu.memref_slice %arg7[%rem3A_113, %dma_start3A_229] : memref<4x1280xi32, #tpu.memory_space<vmem>> -> memref<1x128xi32, #tpu.memory_space<vmem>>
      %dma_start3A_231 = tpu.memref_squeeze %dma_start3A_230 : memref<1x128xi32, #tpu.memory_space<vmem>> -> memref<128xi32, #tpu.memory_space<vmem>>
      %dma_start3A_232 = arith.constant 0 : i32
      %dma_start3A_233 = arith.constant 0 : i32
      %dma_start3A_234 = tpu.memref_slice %arg6[%dma_start3A_232, %dma_start3A_233] : memref<100000x8xf32, #tpu.memory_space<vmem_shared>> -> memref<100000x8xf32, #tpu.memory_space<vmem_shared>>
      tpu.enqueue_indirect_dma source(%dma_start3A_228 : memref<128x8xf32, #tpu.memory_space<vmem>>) target(%dma_start3A_234 : memref<100000x8xf32, #tpu.memory_space<vmem_shared>>) offsets(%dma_start3A_231 : memref<128xi32, #tpu.memory_space<vmem>>) semaphore(%arg11 : memref<!tpu.dma_semaphore, #tpu.memory_space<semaphore_mem>>) {add = true}
      %add3A_235 = arith.constant 1024 : i32
      %add3A_236 = arith.addi %mul3A_149, %add3A_235 : i32
      %dma_start3A_237 = arith.constant 0 : i32
      %dma_start3A_238 = tpu.memref_slice %arg9[%add3A_236, %dma_start3A_237] : memref<2560x8xf32, #tpu.memory_space<vmem>> -> memref<128x8xf32, #tpu.memory_space<vmem>>
      %dma_start3A_239 = arith.constant 1024 : i32
      %dma_start3A_240 = tpu.memref_slice %arg7[%rem3A_113, %dma_start3A_239] : memref<4x1280xi32, #tpu.memory_space<vmem>> -> memref<1x128xi32, #tpu.memory_space<vmem>>
      %dma_start3A_241 = tpu.memref_squeeze %dma_start3A_240 : memref<1x128xi32, #tpu.memory_space<vmem>> -> memref<128xi32, #tpu.memory_space<vmem>>
      %dma_start3A_242 = arith.constant 0 : i32
      %dma_start3A_243 = arith.constant 0 : i32
      %dma_start3A_244 = tpu.memref_slice %arg6[%dma_start3A_242, %dma_start3A_243] : memref<100000x8xf32, #tpu.memory_space<vmem_shared>> -> memref<100000x8xf32, #tpu.memory_space<vmem_shared>>
      tpu.enqueue_indirect_dma source(%dma_start3A_238 : memref<128x8xf32, #tpu.memory_space<vmem>>) target(%dma_start3A_244 : memref<100000x8xf32, #tpu.memory_space<vmem_shared>>) offsets(%dma_start3A_241 : memref<128xi32, #tpu.memory_space<vmem>>) semaphore(%arg11 : memref<!tpu.dma_semaphore, #tpu.memory_space<semaphore_mem>>) {add = true}
      %add3A_245 = arith.constant 1152 : i32
      %add3A_246 = arith.addi %mul3A_149, %add3A_245 : i32
      %dma_start3A_247 = arith.constant 0 : i32
      %dma_start3A_248 = tpu.memref_slice %arg9[%add3A_246, %dma_start3A_247] : memref<2560x8xf32, #tpu.memory_space<vmem>> -> memref<128x8xf32, #tpu.memory_space<vmem>>
      %dma_start3A_249 = arith.constant 1152 : i32
      %dma_start3A_250 = tpu.memref_slice %arg7[%rem3A_113, %dma_start3A_249] : memref<4x1280xi32, #tpu.memory_space<vmem>> -> memref<1x128xi32, #tpu.memory_space<vmem>>
      %dma_start3A_251 = tpu.memref_squeeze %dma_start3A_250 : memref<1x128xi32, #tpu.memory_space<vmem>> -> memref<128xi32, #tpu.memory_space<vmem>>
      %dma_start3A_252 = arith.constant 0 : i32
      %dma_start3A_253 = arith.constant 0 : i32
      %dma_start3A_254 = tpu.memref_slice %arg6[%dma_start3A_252, %dma_start3A_253] : memref<100000x8xf32, #tpu.memory_space<vmem_shared>> -> memref<100000x8xf32, #tpu.memory_space<vmem_shared>>
      tpu.enqueue_indirect_dma source(%dma_start3A_248 : memref<128x8xf32, #tpu.memory_space<vmem>>) target(%dma_start3A_254 : memref<100000x8xf32, #tpu.memory_space<vmem_shared>>) offsets(%dma_start3A_251 : memref<128xi32, #tpu.memory_space<vmem>>) semaphore(%arg11 : memref<!tpu.dma_semaphore, #tpu.memory_space<semaphore_mem>>) {add = true}
    }
    %min3A = arith.constant 2 : i32
    %min3A_93 = arith.minsi %select_n3A, %min3A : i32
    %while3A_94 = arith.constant 0 : i32
    %while3A_95 = arith.constant 0 : i32
    %while3A_96 = arith.subi %min3A_93, %while3A_95 : i32
    %while3A_97 = arith.addi %while3A_95, %while3A_96 : i32
    %while3A_98 = arith.constant 1 : i32
    %while3A_99 = arith.divsi %while3A_96, %while3A_98 : i32
    %while3A_100 = arith.muli %while3A_99, %while3A_98 : i32
    %while3A_101 = arith.addi %while3A_95, %while3A_100 : i32
    %while3A_102 = arith.constant 1 : i32
    scf.for %while3A_109 = %while3A_95 to %while3A_101 step %while3A_102  : i32 {
      %dma_wait3A = arith.constant 0 : i32
      %dma_wait3A_110 = arith.constant 0 : i32
      %dma_wait3A_111 = arith.constant 0 : i32
      %dma_wait3A_112 = tpu.memref_slice %arg9[%dma_wait3A_110, %dma_wait3A_111] : memref<2560x8xf32, #tpu.memory_space<vmem>> -> memref<128x8xf32, #tpu.memory_space<vmem>>
      %dma_wait3A_113 = arith.constant 0 : i32
      %dma_wait3A_114 = tpu.memref_slice %arg7[%dma_wait3A, %dma_wait3A_113] : memref<4x1280xi32, #tpu.memory_space<vmem>> -> memref<1x128xi32, #tpu.memory_space<vmem>>
      %dma_wait3A_115 = tpu.memref_squeeze %dma_wait3A_114 : memref<1x128xi32, #tpu.memory_space<vmem>> -> memref<128xi32, #tpu.memory_space<vmem>>
      %dma_wait3A_116 = arith.constant 0 : i32
      %dma_wait3A_117 = arith.constant 0 : i32
      %dma_wait3A_118 = tpu.memref_slice %arg6[%dma_wait3A_116, %dma_wait3A_117] : memref<100000x8xf32, #tpu.memory_space<vmem_shared>> -> memref<100000x8xf32, #tpu.memory_space<vmem_shared>>
      tpu.wait_indirect_dma semaphore(%arg11 : memref<!tpu.dma_semaphore, #tpu.memory_space<semaphore_mem>>) src(%dma_wait3A_112 : memref<128x8xf32, #tpu.memory_space<vmem>>) dst(%dma_wait3A_118 : memref<100000x8xf32, #tpu.memory_space<vmem_shared>>)
      %dma_wait3A_119 = arith.constant 0 : i32
      %dma_wait3A_120 = arith.constant 128 : i32
      %dma_wait3A_121 = arith.constant 0 : i32
      %dma_wait3A_122 = tpu.memref_slice %arg9[%dma_wait3A_120, %dma_wait3A_121] : memref<2560x8xf32, #tpu.memory_space<vmem>> -> memref<128x8xf32, #tpu.memory_space<vmem>>
      %dma_wait3A_123 = arith.constant 128 : i32
      %dma_wait3A_124 = tpu.memref_slice %arg7[%dma_wait3A_119, %dma_wait3A_123] : memref<4x1280xi32, #tpu.memory_space<vmem>> -> memref<1x128xi32, #tpu.memory_space<vmem>>
      %dma_wait3A_125 = tpu.memref_squeeze %dma_wait3A_124 : memref<1x128xi32, #tpu.memory_space<vmem>> -> memref<128xi32, #tpu.memory_space<vmem>>
      %dma_wait3A_126 = arith.constant 0 : i32
      %dma_wait3A_127 = arith.constant 0 : i32
      %dma_wait3A_128 = tpu.memref_slice %arg6[%dma_wait3A_126, %dma_wait3A_127] : memref<100000x8xf32, #tpu.memory_space<vmem_shared>> -> memref<100000x8xf32, #tpu.memory_space<vmem_shared>>
      tpu.wait_indirect_dma semaphore(%arg11 : memref<!tpu.dma_semaphore, #tpu.memory_space<semaphore_mem>>) src(%dma_wait3A_122 : memref<128x8xf32, #tpu.memory_space<vmem>>) dst(%dma_wait3A_128 : memref<100000x8xf32, #tpu.memory_space<vmem_shared>>)
      %dma_wait3A_129 = arith.constant 0 : i32
      %dma_wait3A_130 = arith.constant 256 : i32
      %dma_wait3A_131 = arith.constant 0 : i32
      %dma_wait3A_132 = tpu.memref_slice %arg9[%dma_wait3A_130, %dma_wait3A_131] : memref<2560x8xf32, #tpu.memory_space<vmem>> -> memref<128x8xf32, #tpu.memory_space<vmem>>
      %dma_wait3A_133 = arith.constant 256 : i32
      %dma_wait3A_134 = tpu.memref_slice %arg7[%dma_wait3A_129, %dma_wait3A_133] : memref<4x1280xi32, #tpu.memory_space<vmem>> -> memref<1x128xi32, #tpu.memory_space<vmem>>
      %dma_wait3A_135 = tpu.memref_squeeze %dma_wait3A_134 : memref<1x128xi32, #tpu.memory_space<vmem>> -> memref<128xi32, #tpu.memory_space<vmem>>
      %dma_wait3A_136 = arith.constant 0 : i32
      %dma_wait3A_137 = arith.constant 0 : i32
      %dma_wait3A_138 = tpu.memref_slice %arg6[%dma_wait3A_136, %dma_wait3A_137] : memref<100000x8xf32, #tpu.memory_space<vmem_shared>> -> memref<100000x8xf32, #tpu.memory_space<vmem_shared>>
      tpu.wait_indirect_dma semaphore(%arg11 : memref<!tpu.dma_semaphore, #tpu.memory_space<semaphore_mem>>) src(%dma_wait3A_132 : memref<128x8xf32, #tpu.memory_space<vmem>>) dst(%dma_wait3A_138 : memref<100000x8xf32, #tpu.memory_space<vmem_shared>>)
      %dma_wait3A_139 = arith.constant 0 : i32
      %dma_wait3A_140 = arith.constant 384 : i32
      %dma_wait3A_141 = arith.constant 0 : i32
      %dma_wait3A_142 = tpu.memref_slice %arg9[%dma_wait3A_140, %dma_wait3A_141] : memref<2560x8xf32, #tpu.memory_space<vmem>> -> memref<128x8xf32, #tpu.memory_space<vmem>>
      %dma_wait3A_143 = arith.constant 384 : i32
      %dma_wait3A_144 = tpu.memref_slice %arg7[%dma_wait3A_139, %dma_wait3A_143] : memref<4x1280xi32, #tpu.memory_space<vmem>> -> memref<1x128xi32, #tpu.memory_space<vmem>>
      %dma_wait3A_145 = tpu.memref_squeeze %dma_wait3A_144 : memref<1x128xi32, #tpu.memory_space<vmem>> -> memref<128xi32, #tpu.memory_space<vmem>>
      %dma_wait3A_146 = arith.constant 0 : i32
      %dma_wait3A_147 = arith.constant 0 : i32
      %dma_wait3A_148 = tpu.memref_slice %arg6[%dma_wait3A_146, %dma_wait3A_147] : memref<100000x8xf32, #tpu.memory_space<vmem_shared>> -> memref<100000x8xf32, #tpu.memory_space<vmem_shared>>
      tpu.wait_indirect_dma semaphore(%arg11 : memref<!tpu.dma_semaphore, #tpu.memory_space<semaphore_mem>>) src(%dma_wait3A_142 : memref<128x8xf32, #tpu.memory_space<vmem>>) dst(%dma_wait3A_148 : memref<100000x8xf32, #tpu.memory_space<vmem_shared>>)
      %dma_wait3A_149 = arith.constant 0 : i32
      %dma_wait3A_150 = arith.constant 512 : i32
      %dma_wait3A_151 = arith.constant 0 : i32
      %dma_wait3A_152 = tpu.memref_slice %arg9[%dma_wait3A_150, %dma_wait3A_151] : memref<2560x8xf32, #tpu.memory_space<vmem>> -> memref<128x8xf32, #tpu.memory_space<vmem>>
      %dma_wait3A_153 = arith.constant 512 : i32
      %dma_wait3A_154 = tpu.memref_slice %arg7[%dma_wait3A_149, %dma_wait3A_153] : memref<4x1280xi32, #tpu.memory_space<vmem>> -> memref<1x128xi32, #tpu.memory_space<vmem>>
      %dma_wait3A_155 = tpu.memref_squeeze %dma_wait3A_154 : memref<1x128xi32, #tpu.memory_space<vmem>> -> memref<128xi32, #tpu.memory_space<vmem>>
      %dma_wait3A_156 = arith.constant 0 : i32
      %dma_wait3A_157 = arith.constant 0 : i32
      %dma_wait3A_158 = tpu.memref_slice %arg6[%dma_wait3A_156, %dma_wait3A_157] : memref<100000x8xf32, #tpu.memory_space<vmem_shared>> -> memref<100000x8xf32, #tpu.memory_space<vmem_shared>>
      tpu.wait_indirect_dma semaphore(%arg11 : memref<!tpu.dma_semaphore, #tpu.memory_space<semaphore_mem>>) src(%dma_wait3A_152 : memref<128x8xf32, #tpu.memory_space<vmem>>) dst(%dma_wait3A_158 : memref<100000x8xf32, #tpu.memory_space<vmem_shared>>)
      %dma_wait3A_159 = arith.constant 0 : i32
      %dma_wait3A_160 = arith.constant 640 : i32
      %dma_wait3A_161 = arith.constant 0 : i32
      %dma_wait3A_162 = tpu.memref_slice %arg9[%dma_wait3A_160, %dma_wait3A_161] : memref<2560x8xf32, #tpu.memory_space<vmem>> -> memref<128x8xf32, #tpu.memory_space<vmem>>
      %dma_wait3A_163 = arith.constant 640 : i32
      %dma_wait3A_164 = tpu.memref_slice %arg7[%dma_wait3A_159, %dma_wait3A_163] : memref<4x1280xi32, #tpu.memory_space<vmem>> -> memref<1x128xi32, #tpu.memory_space<vmem>>
      %dma_wait3A_165 = tpu.memref_squeeze %dma_wait3A_164 : memref<1x128xi32, #tpu.memory_space<vmem>> -> memref<128xi32, #tpu.memory_space<vmem>>
      %dma_wait3A_166 = arith.constant 0 : i32
      %dma_wait3A_167 = arith.constant 0 : i32
      %dma_wait3A_168 = tpu.memref_slice %arg6[%dma_wait3A_166, %dma_wait3A_167] : memref<100000x8xf32, #tpu.memory_space<vmem_shared>> -> memref<100000x8xf32, #tpu.memory_space<vmem_shared>>
      tpu.wait_indirect_dma semaphore(%arg11 : memref<!tpu.dma_semaphore, #tpu.memory_space<semaphore_mem>>) src(%dma_wait3A_162 : memref<128x8xf32, #tpu.memory_space<vmem>>) dst(%dma_wait3A_168 : memref<100000x8xf32, #tpu.memory_space<vmem_shared>>)
      %dma_wait3A_169 = arith.constant 0 : i32
      %dma_wait3A_170 = arith.constant 768 : i32
      %dma_wait3A_171 = arith.constant 0 : i32
      %dma_wait3A_172 = tpu.memref_slice %arg9[%dma_wait3A_170, %dma_wait3A_171] : memref<2560x8xf32, #tpu.memory_space<vmem>> -> memref<128x8xf32, #tpu.memory_space<vmem>>
      %dma_wait3A_173 = arith.constant 768 : i32
      %dma_wait3A_174 = tpu.memref_slice %arg7[%dma_wait3A_169, %dma_wait3A_173] : memref<4x1280xi32, #tpu.memory_space<vmem>> -> memref<1x128xi32, #tpu.memory_space<vmem>>
      %dma_wait3A_175 = tpu.memref_squeeze %dma_wait3A_174 : memref<1x128xi32, #tpu.memory_space<vmem>> -> memref<128xi32, #tpu.memory_space<vmem>>
      %dma_wait3A_176 = arith.constant 0 : i32
      %dma_wait3A_177 = arith.constant 0 : i32
      %dma_wait3A_178 = tpu.memref_slice %arg6[%dma_wait3A_176, %dma_wait3A_177] : memref<100000x8xf32, #tpu.memory_space<vmem_shared>> -> memref<100000x8xf32, #tpu.memory_space<vmem_shared>>
      tpu.wait_indirect_dma semaphore(%arg11 : memref<!tpu.dma_semaphore, #tpu.memory_space<semaphore_mem>>) src(%dma_wait3A_172 : memref<128x8xf32, #tpu.memory_space<vmem>>) dst(%dma_wait3A_178 : memref<100000x8xf32, #tpu.memory_space<vmem_shared>>)
      %dma_wait3A_179 = arith.constant 0 : i32
      %dma_wait3A_180 = arith.constant 896 : i32
      %dma_wait3A_181 = arith.constant 0 : i32
      %dma_wait3A_182 = tpu.memref_slice %arg9[%dma_wait3A_180, %dma_wait3A_181] : memref<2560x8xf32, #tpu.memory_space<vmem>> -> memref<128x8xf32, #tpu.memory_space<vmem>>
      %dma_wait3A_183 = arith.constant 896 : i32
      %dma_wait3A_184 = tpu.memref_slice %arg7[%dma_wait3A_179, %dma_wait3A_183] : memref<4x1280xi32, #tpu.memory_space<vmem>> -> memref<1x128xi32, #tpu.memory_space<vmem>>
      %dma_wait3A_185 = tpu.memref_squeeze %dma_wait3A_184 : memref<1x128xi32, #tpu.memory_space<vmem>> -> memref<128xi32, #tpu.memory_space<vmem>>
      %dma_wait3A_186 = arith.constant 0 : i32
      %dma_wait3A_187 = arith.constant 0 : i32
      %dma_wait3A_188 = tpu.memref_slice %arg6[%dma_wait3A_186, %dma_wait3A_187] : memref<100000x8xf32, #tpu.memory_space<vmem_shared>> -> memref<100000x8xf32, #tpu.memory_space<vmem_shared>>
      tpu.wait_indirect_dma semaphore(%arg11 : memref<!tpu.dma_semaphore, #tpu.memory_space<semaphore_mem>>) src(%dma_wait3A_182 : memref<128x8xf32, #tpu.memory_space<vmem>>) dst(%dma_wait3A_188 : memref<100000x8xf32, #tpu.memory_space<vmem_shared>>)
      %dma_wait3A_189 = arith.constant 0 : i32
      %dma_wait3A_190 = arith.constant 1024 : i32
      %dma_wait3A_191 = arith.constant 0 : i32
      %dma_wait3A_192 = tpu.memref_slice %arg9[%dma_wait3A_190, %dma_wait3A_191] : memref<2560x8xf32, #tpu.memory_space<vmem>> -> memref<128x8xf32, #tpu.memory_space<vmem>>
      %dma_wait3A_193 = arith.constant 1024 : i32
      %dma_wait3A_194 = tpu.memref_slice %arg7[%dma_wait3A_189, %dma_wait3A_193] : memref<4x1280xi32, #tpu.memory_space<vmem>> -> memref<1x128xi32, #tpu.memory_space<vmem>>
      %dma_wait3A_195 = tpu.memref_squeeze %dma_wait3A_194 : memref<1x128xi32, #tpu.memory_space<vmem>> -> memref<128xi32, #tpu.memory_space<vmem>>
      %dma_wait3A_196 = arith.constant 0 : i32
      %dma_wait3A_197 = arith.constant 0 : i32
      %dma_wait3A_198 = tpu.memref_slice %arg6[%dma_wait3A_196, %dma_wait3A_197] : memref<100000x8xf32, #tpu.memory_space<vmem_shared>> -> memref<100000x8xf32, #tpu.memory_space<vmem_shared>>
      tpu.wait_indirect_dma semaphore(%arg11 : memref<!tpu.dma_semaphore, #tpu.memory_space<semaphore_mem>>) src(%dma_wait3A_192 : memref<128x8xf32, #tpu.memory_space<vmem>>) dst(%dma_wait3A_198 : memref<100000x8xf32, #tpu.memory_space<vmem_shared>>)
      %dma_wait3A_199 = arith.constant 0 : i32
      %dma_wait3A_200 = arith.constant 1152 : i32
      %dma_wait3A_201 = arith.constant 0 : i32
      %dma_wait3A_202 = tpu.memref_slice %arg9[%dma_wait3A_200, %dma_wait3A_201] : memref<2560x8xf32, #tpu.memory_space<vmem>> -> memref<128x8xf32, #tpu.memory_space<vmem>>
      %dma_wait3A_203 = arith.constant 1152 : i32
      %dma_wait3A_204 = tpu.memref_slice %arg7[%dma_wait3A_199, %dma_wait3A_203] : memref<4x1280xi32, #tpu.memory_space<vmem>> -> memref<1x128xi32, #tpu.memory_space<vmem>>
      %dma_wait3A_205 = tpu.memref_squeeze %dma_wait3A_204 : memref<1x128xi32, #tpu.memory_space<vmem>> -> memref<128xi32, #tpu.memory_space<vmem>>
      %dma_wait3A_206 = arith.constant 0 : i32
      %dma_wait3A_207 = arith.constant 0 : i32
      %dma_wait3A_208 = tpu.memref_slice %arg6[%dma_wait3A_206, %dma_wait3A_207] : memref<100000x8xf32, #tpu.memory_space<vmem_shared>> -> memref<100000x8xf32, #tpu.memory_space<vmem_shared>>
      tpu.wait_indirect_dma semaphore(%arg11 : memref<!tpu.dma_semaphore, #tpu.memory_space<semaphore_mem>>) src(%dma_wait3A_202 : memref<128x8xf32, #tpu.memory_space<vmem>>) dst(%dma_wait3A_208 : memref<100000x8xf32, #tpu.memory_space<vmem_shared>>)
    }
    %while3A_103 = arith.constant 1 : i32
    scf.for %while3A_109 = %while3A_101 to %while3A_97 step %while3A_103  : i32 {
      %dma_wait3A = arith.constant 0 : i32
      %dma_wait3A_110 = arith.constant 0 : i32
      %dma_wait3A_111 = arith.constant 0 : i32
      %dma_wait3A_112 = tpu.memref_slice %arg9[%dma_wait3A_110, %dma_wait3A_111] : memref<2560x8xf32, #tpu.memory_space<vmem>> -> memref<128x8xf32, #tpu.memory_space<vmem>>
      %dma_wait3A_113 = arith.constant 0 : i32
      %dma_wait3A_114 = tpu.memref_slice %arg7[%dma_wait3A, %dma_wait3A_113] : memref<4x1280xi32, #tpu.memory_space<vmem>> -> memref<1x128xi32, #tpu.memory_space<vmem>>
      %dma_wait3A_115 = tpu.memref_squeeze %dma_wait3A_114 : memref<1x128xi32, #tpu.memory_space<vmem>> -> memref<128xi32, #tpu.memory_space<vmem>>
      %dma_wait3A_116 = arith.constant 0 : i32
      %dma_wait3A_117 = arith.constant 0 : i32
      %dma_wait3A_118 = tpu.memref_slice %arg6[%dma_wait3A_116, %dma_wait3A_117] : memref<100000x8xf32, #tpu.memory_space<vmem_shared>> -> memref<100000x8xf32, #tpu.memory_space<vmem_shared>>
      tpu.wait_indirect_dma semaphore(%arg11 : memref<!tpu.dma_semaphore, #tpu.memory_space<semaphore_mem>>) src(%dma_wait3A_112 : memref<128x8xf32, #tpu.memory_space<vmem>>) dst(%dma_wait3A_118 : memref<100000x8xf32, #tpu.memory_space<vmem_shared>>)
      %dma_wait3A_119 = arith.constant 0 : i32
      %dma_wait3A_120 = arith.constant 128 : i32
      %dma_wait3A_121 = arith.constant 0 : i32
      %dma_wait3A_122 = tpu.memref_slice %arg9[%dma_wait3A_120, %dma_wait3A_121] : memref<2560x8xf32, #tpu.memory_space<vmem>> -> memref<128x8xf32, #tpu.memory_space<vmem>>
      %dma_wait3A_123 = arith.constant 128 : i32
      %dma_wait3A_124 = tpu.memref_slice %arg7[%dma_wait3A_119, %dma_wait3A_123] : memref<4x1280xi32, #tpu.memory_space<vmem>> -> memref<1x128xi32, #tpu.memory_space<vmem>>
      %dma_wait3A_125 = tpu.memref_squeeze %dma_wait3A_124 : memref<1x128xi32, #tpu.memory_space<vmem>> -> memref<128xi32, #tpu.memory_space<vmem>>
      %dma_wait3A_126 = arith.constant 0 : i32
      %dma_wait3A_127 = arith.constant 0 : i32
      %dma_wait3A_128 = tpu.memref_slice %arg6[%dma_wait3A_126, %dma_wait3A_127] : memref<100000x8xf32, #tpu.memory_space<vmem_shared>> -> memref<100000x8xf32, #tpu.memory_space<vmem_shared>>
      tpu.wait_indirect_dma semaphore(%arg11 : memref<!tpu.dma_semaphore, #tpu.memory_space<semaphore_mem>>) src(%dma_wait3A_122 : memref<128x8xf32, #tpu.memory_space<vmem>>) dst(%dma_wait3A_128 : memref<100000x8xf32, #tpu.memory_space<vmem_shared>>)
      %dma_wait3A_129 = arith.constant 0 : i32
      %dma_wait3A_130 = arith.constant 256 : i32
      %dma_wait3A_131 = arith.constant 0 : i32
      %dma_wait3A_132 = tpu.memref_slice %arg9[%dma_wait3A_130, %dma_wait3A_131] : memref<2560x8xf32, #tpu.memory_space<vmem>> -> memref<128x8xf32, #tpu.memory_space<vmem>>
      %dma_wait3A_133 = arith.constant 256 : i32
      %dma_wait3A_134 = tpu.memref_slice %arg7[%dma_wait3A_129, %dma_wait3A_133] : memref<4x1280xi32, #tpu.memory_space<vmem>> -> memref<1x128xi32, #tpu.memory_space<vmem>>
      %dma_wait3A_135 = tpu.memref_squeeze %dma_wait3A_134 : memref<1x128xi32, #tpu.memory_space<vmem>> -> memref<128xi32, #tpu.memory_space<vmem>>
      %dma_wait3A_136 = arith.constant 0 : i32
      %dma_wait3A_137 = arith.constant 0 : i32
      %dma_wait3A_138 = tpu.memref_slice %arg6[%dma_wait3A_136, %dma_wait3A_137] : memref<100000x8xf32, #tpu.memory_space<vmem_shared>> -> memref<100000x8xf32, #tpu.memory_space<vmem_shared>>
      tpu.wait_indirect_dma semaphore(%arg11 : memref<!tpu.dma_semaphore, #tpu.memory_space<semaphore_mem>>) src(%dma_wait3A_132 : memref<128x8xf32, #tpu.memory_space<vmem>>) dst(%dma_wait3A_138 : memref<100000x8xf32, #tpu.memory_space<vmem_shared>>)
      %dma_wait3A_139 = arith.constant 0 : i32
      %dma_wait3A_140 = arith.constant 384 : i32
      %dma_wait3A_141 = arith.constant 0 : i32
      %dma_wait3A_142 = tpu.memref_slice %arg9[%dma_wait3A_140, %dma_wait3A_141] : memref<2560x8xf32, #tpu.memory_space<vmem>> -> memref<128x8xf32, #tpu.memory_space<vmem>>
      %dma_wait3A_143 = arith.constant 384 : i32
      %dma_wait3A_144 = tpu.memref_slice %arg7[%dma_wait3A_139, %dma_wait3A_143] : memref<4x1280xi32, #tpu.memory_space<vmem>> -> memref<1x128xi32, #tpu.memory_space<vmem>>
      %dma_wait3A_145 = tpu.memref_squeeze %dma_wait3A_144 : memref<1x128xi32, #tpu.memory_space<vmem>> -> memref<128xi32, #tpu.memory_space<vmem>>
      %dma_wait3A_146 = arith.constant 0 : i32
      %dma_wait3A_147 = arith.constant 0 : i32
      %dma_wait3A_148 = tpu.memref_slice %arg6[%dma_wait3A_146, %dma_wait3A_147] : memref<100000x8xf32, #tpu.memory_space<vmem_shared>> -> memref<100000x8xf32, #tpu.memory_space<vmem_shared>>
      tpu.wait_indirect_dma semaphore(%arg11 : memref<!tpu.dma_semaphore, #tpu.memory_space<semaphore_mem>>) src(%dma_wait3A_142 : memref<128x8xf32, #tpu.memory_space<vmem>>) dst(%dma_wait3A_148 : memref<100000x8xf32, #tpu.memory_space<vmem_shared>>)
      %dma_wait3A_149 = arith.constant 0 : i32
      %dma_wait3A_150 = arith.constant 512 : i32
      %dma_wait3A_151 = arith.constant 0 : i32
      %dma_wait3A_152 = tpu.memref_slice %arg9[%dma_wait3A_150, %dma_wait3A_151] : memref<2560x8xf32, #tpu.memory_space<vmem>> -> memref<128x8xf32, #tpu.memory_space<vmem>>
      %dma_wait3A_153 = arith.constant 512 : i32
      %dma_wait3A_154 = tpu.memref_slice %arg7[%dma_wait3A_149, %dma_wait3A_153] : memref<4x1280xi32, #tpu.memory_space<vmem>> -> memref<1x128xi32, #tpu.memory_space<vmem>>
      %dma_wait3A_155 = tpu.memref_squeeze %dma_wait3A_154 : memref<1x128xi32, #tpu.memory_space<vmem>> -> memref<128xi32, #tpu.memory_space<vmem>>
      %dma_wait3A_156 = arith.constant 0 : i32
      %dma_wait3A_157 = arith.constant 0 : i32
      %dma_wait3A_158 = tpu.memref_slice %arg6[%dma_wait3A_156, %dma_wait3A_157] : memref<100000x8xf32, #tpu.memory_space<vmem_shared>> -> memref<100000x8xf32, #tpu.memory_space<vmem_shared>>
      tpu.wait_indirect_dma semaphore(%arg11 : memref<!tpu.dma_semaphore, #tpu.memory_space<semaphore_mem>>) src(%dma_wait3A_152 : memref<128x8xf32, #tpu.memory_space<vmem>>) dst(%dma_wait3A_158 : memref<100000x8xf32, #tpu.memory_space<vmem_shared>>)
      %dma_wait3A_159 = arith.constant 0 : i32
      %dma_wait3A_160 = arith.constant 640 : i32
      %dma_wait3A_161 = arith.constant 0 : i32
      %dma_wait3A_162 = tpu.memref_slice %arg9[%dma_wait3A_160, %dma_wait3A_161] : memref<2560x8xf32, #tpu.memory_space<vmem>> -> memref<128x8xf32, #tpu.memory_space<vmem>>
      %dma_wait3A_163 = arith.constant 640 : i32
      %dma_wait3A_164 = tpu.memref_slice %arg7[%dma_wait3A_159, %dma_wait3A_163] : memref<4x1280xi32, #tpu.memory_space<vmem>> -> memref<1x128xi32, #tpu.memory_space<vmem>>
      %dma_wait3A_165 = tpu.memref_squeeze %dma_wait3A_164 : memref<1x128xi32, #tpu.memory_space<vmem>> -> memref<128xi32, #tpu.memory_space<vmem>>
      %dma_wait3A_166 = arith.constant 0 : i32
      %dma_wait3A_167 = arith.constant 0 : i32
      %dma_wait3A_168 = tpu.memref_slice %arg6[%dma_wait3A_166, %dma_wait3A_167] : memref<100000x8xf32, #tpu.memory_space<vmem_shared>> -> memref<100000x8xf32, #tpu.memory_space<vmem_shared>>
      tpu.wait_indirect_dma semaphore(%arg11 : memref<!tpu.dma_semaphore, #tpu.memory_space<semaphore_mem>>) src(%dma_wait3A_162 : memref<128x8xf32, #tpu.memory_space<vmem>>) dst(%dma_wait3A_168 : memref<100000x8xf32, #tpu.memory_space<vmem_shared>>)
      %dma_wait3A_169 = arith.constant 0 : i32
      %dma_wait3A_170 = arith.constant 768 : i32
      %dma_wait3A_171 = arith.constant 0 : i32
      %dma_wait3A_172 = tpu.memref_slice %arg9[%dma_wait3A_170, %dma_wait3A_171] : memref<2560x8xf32, #tpu.memory_space<vmem>> -> memref<128x8xf32, #tpu.memory_space<vmem>>
      %dma_wait3A_173 = arith.constant 768 : i32
      %dma_wait3A_174 = tpu.memref_slice %arg7[%dma_wait3A_169, %dma_wait3A_173] : memref<4x1280xi32, #tpu.memory_space<vmem>> -> memref<1x128xi32, #tpu.memory_space<vmem>>
      %dma_wait3A_175 = tpu.memref_squeeze %dma_wait3A_174 : memref<1x128xi32, #tpu.memory_space<vmem>> -> memref<128xi32, #tpu.memory_space<vmem>>
      %dma_wait3A_176 = arith.constant 0 : i32
      %dma_wait3A_177 = arith.constant 0 : i32
      %dma_wait3A_178 = tpu.memref_slice %arg6[%dma_wait3A_176, %dma_wait3A_177] : memref<100000x8xf32, #tpu.memory_space<vmem_shared>> -> memref<100000x8xf32, #tpu.memory_space<vmem_shared>>
      tpu.wait_indirect_dma semaphore(%arg11 : memref<!tpu.dma_semaphore, #tpu.memory_space<semaphore_mem>>) src(%dma_wait3A_172 : memref<128x8xf32, #tpu.memory_space<vmem>>) dst(%dma_wait3A_178 : memref<100000x8xf32, #tpu.memory_space<vmem_shared>>)
      %dma_wait3A_179 = arith.constant 0 : i32
      %dma_wait3A_180 = arith.constant 896 : i32
      %dma_wait3A_181 = arith.constant 0 : i32
      %dma_wait3A_182 = tpu.memref_slice %arg9[%dma_wait3A_180, %dma_wait3A_181] : memref<2560x8xf32, #tpu.memory_space<vmem>> -> memref<128x8xf32, #tpu.memory_space<vmem>>
      %dma_wait3A_183 = arith.constant 896 : i32
      %dma_wait3A_184 = tpu.memref_slice %arg7[%dma_wait3A_179, %dma_wait3A_183] : memref<4x1280xi32, #tpu.memory_space<vmem>> -> memref<1x128xi32, #tpu.memory_space<vmem>>
      %dma_wait3A_185 = tpu.memref_squeeze %dma_wait3A_184 : memref<1x128xi32, #tpu.memory_space<vmem>> -> memref<128xi32, #tpu.memory_space<vmem>>
      %dma_wait3A_186 = arith.constant 0 : i32
      %dma_wait3A_187 = arith.constant 0 : i32
      %dma_wait3A_188 = tpu.memref_slice %arg6[%dma_wait3A_186, %dma_wait3A_187] : memref<100000x8xf32, #tpu.memory_space<vmem_shared>> -> memref<100000x8xf32, #tpu.memory_space<vmem_shared>>
      tpu.wait_indirect_dma semaphore(%arg11 : memref<!tpu.dma_semaphore, #tpu.memory_space<semaphore_mem>>) src(%dma_wait3A_182 : memref<128x8xf32, #tpu.memory_space<vmem>>) dst(%dma_wait3A_188 : memref<100000x8xf32, #tpu.memory_space<vmem_shared>>)
      %dma_wait3A_189 = arith.constant 0 : i32
      %dma_wait3A_190 = arith.constant 1024 : i32
      %dma_wait3A_191 = arith.constant 0 : i32
      %dma_wait3A_192 = tpu.memref_slice %arg9[%dma_wait3A_190, %dma_wait3A_191] : memref<2560x8xf32, #tpu.memory_space<vmem>> -> memref<128x8xf32, #tpu.memory_space<vmem>>
      %dma_wait3A_193 = arith.constant 1024 : i32
      %dma_wait3A_194 = tpu.memref_slice %arg7[%dma_wait3A_189, %dma_wait3A_193] : memref<4x1280xi32, #tpu.memory_space<vmem>> -> memref<1x128xi32, #tpu.memory_space<vmem>>
      %dma_wait3A_195 = tpu.memref_squeeze %dma_wait3A_194 : memref<1x128xi32, #tpu.memory_space<vmem>> -> memref<128xi32, #tpu.memory_space<vmem>>
      %dma_wait3A_196 = arith.constant 0 : i32
      %dma_wait3A_197 = arith.constant 0 : i32
      %dma_wait3A_198 = tpu.memref_slice %arg6[%dma_wait3A_196, %dma_wait3A_197] : memref<100000x8xf32, #tpu.memory_space<vmem_shared>> -> memref<100000x8xf32, #tpu.memory_space<vmem_shared>>
      tpu.wait_indirect_dma semaphore(%arg11 : memref<!tpu.dma_semaphore, #tpu.memory_space<semaphore_mem>>) src(%dma_wait3A_192 : memref<128x8xf32, #tpu.memory_space<vmem>>) dst(%dma_wait3A_198 : memref<100000x8xf32, #tpu.memory_space<vmem_shared>>)
      %dma_wait3A_199 = arith.constant 0 : i32
      %dma_wait3A_200 = arith.constant 1152 : i32
      %dma_wait3A_201 = arith.constant 0 : i32
      %dma_wait3A_202 = tpu.memref_slice %arg9[%dma_wait3A_200, %dma_wait3A_201] : memref<2560x8xf32, #tpu.memory_space<vmem>> -> memref<128x8xf32, #tpu.memory_space<vmem>>
      %dma_wait3A_203 = arith.constant 1152 : i32
      %dma_wait3A_204 = tpu.memref_slice %arg7[%dma_wait3A_199, %dma_wait3A_203] : memref<4x1280xi32, #tpu.memory_space<vmem>> -> memref<1x128xi32, #tpu.memory_space<vmem>>
      %dma_wait3A_205 = tpu.memref_squeeze %dma_wait3A_204 : memref<1x128xi32, #tpu.memory_space<vmem>> -> memref<128xi32, #tpu.memory_space<vmem>>
      %dma_wait3A_206 = arith.constant 0 : i32
      %dma_wait3A_207 = arith.constant 0 : i32
      %dma_wait3A_208 = tpu.memref_slice %arg6[%dma_wait3A_206, %dma_wait3A_207] : memref<100000x8xf32, #tpu.memory_space<vmem_shared>> -> memref<100000x8xf32, #tpu.memory_space<vmem_shared>>
      tpu.wait_indirect_dma semaphore(%arg11 : memref<!tpu.dma_semaphore, #tpu.memory_space<semaphore_mem>>) src(%dma_wait3A_202 : memref<128x8xf32, #tpu.memory_space<vmem>>) dst(%dma_wait3A_208 : memref<100000x8xf32, #tpu.memory_space<vmem_shared>>)
    }
    %barrier3A_104 = arith.constant 0 : index
    tpu.barrier barrier_id(%barrier3A_104)
    %mul3A_105 = arith.constant 6250 : i32
    %mul3A_106 = arith.muli %arg1, %mul3A_105 : i32
    %mul3A_107 = arith.constant 6250 : i32
    %mul3A_108 = arith.muli %arg1, %mul3A_107 : i32
    "tpu.region"() ({
      %run_scoped3A = tpu.sem_alloc : memref<!tpu.dma_semaphore, #tpu.memory_space<semaphore_mem>>
      %dma_start3A_109 = arith.constant 0 : i32
      %dma_start3A_110 = tpu.memref_slice %arg5[%arg0, %mul3A_108, %dma_start3A_109] : memref<2x100000x8xf32, #tpu.memory_space<hbm>> -> memref<1x6250x8xf32, #tpu.memory_space<hbm>>
      %dma_start3A_111 = tpu.memref_squeeze %dma_start3A_110 : memref<1x6250x8xf32, #tpu.memory_space<hbm>> -> memref<6250x8xf32, #tpu.memory_space<hbm>>
      %dma_start3A_112 = arith.constant 0 : i32
      %dma_start3A_113 = tpu.memref_slice %arg6[%mul3A_106, %dma_start3A_112] : memref<100000x8xf32, #tpu.memory_space<vmem_shared>> -> memref<6250x8xf32, #tpu.memory_space<vmem_shared>>
      tpu.enqueue_dma source(%dma_start3A_113 : memref<6250x8xf32, #tpu.memory_space<vmem_shared>>) target(%dma_start3A_111 : memref<6250x8xf32, #tpu.memory_space<hbm>>) target_semaphore(%run_scoped3A : memref<!tpu.dma_semaphore, #tpu.memory_space<semaphore_mem>>)
      %dma_wait3A = arith.constant 0 : i32
      %dma_wait3A_114 = tpu.memref_slice %arg5[%arg0, %mul3A_108, %dma_wait3A] : memref<2x100000x8xf32, #tpu.memory_space<hbm>> -> memref<1x6250x8xf32, #tpu.memory_space<hbm>>
      %dma_wait3A_115 = tpu.memref_squeeze %dma_wait3A_114 : memref<1x6250x8xf32, #tpu.memory_space<hbm>> -> memref<6250x8xf32, #tpu.memory_space<hbm>>
      %dma_wait3A_116 = arith.constant 0 : i32
      %dma_wait3A_117 = tpu.memref_slice %arg6[%mul3A_106, %dma_wait3A_116] : memref<100000x8xf32, #tpu.memory_space<vmem_shared>> -> memref<6250x8xf32, #tpu.memory_space<vmem_shared>>
      tpu.wait_dma2 semaphore(%run_scoped3A : memref<!tpu.dma_semaphore, #tpu.memory_space<semaphore_mem>>) src(%dma_wait3A_117 : memref<6250x8xf32, #tpu.memory_space<vmem_shared>>) dst(%dma_wait3A_115 : memref<6250x8xf32, #tpu.memory_space<hbm>>)
      tpu.yield
    }) : () -> ()
    return
  }
}

module attributes {stable_mosaic.version = 14 : i64} {
  func.func @_mlp_body(%arg0: i32, %arg1: memref<4000x128xf32, #tpu.memory_space<vmem>>, %arg2: memref<128x384xf32, #tpu.memory_space<vmem>>, %arg3: memref<1x384xf32, #tpu.memory_space<vmem>>, %arg4: memref<128x1xf32, #tpu.memory_space<vmem>>, %arg5: memref<1x1xf32, #tpu.memory_space<vmem>>, %arg6: memref<128x1xf32, #tpu.memory_space<vmem>>, %arg7: memref<1x1xf32, #tpu.memory_space<vmem>>, %arg8: memref<128x3xf32, #tpu.memory_space<vmem>>, %arg9: memref<1x3xf32, #tpu.memory_space<vmem>>, %arg10: memref<4000x5xf32, #tpu.memory_space<vmem>>) attributes {dimension_semantics = [#tpu.dimension_semantics<arbitrary>], iteration_bounds = array<i64: 25>, scalar_prefetch = 0 : i64, scratch_operands = 0 : i64, tpu.core_type = #tpu.core_type<tc>, window_params = [{transform_indices = @transform_0, window_bounds = array<i64: 4000, 128>}, {pipeline_mode = #tpu.pipeline_mode<synchronous>, transform_indices = @transform_1, window_bounds = array<i64: 128, 384>}, {pipeline_mode = #tpu.pipeline_mode<synchronous>, transform_indices = @transform_2, window_bounds = array<i64: 1, 384>}, {pipeline_mode = #tpu.pipeline_mode<synchronous>, transform_indices = @transform_3, window_bounds = array<i64: 128, 1>}, {pipeline_mode = #tpu.pipeline_mode<synchronous>, transform_indices = @transform_4, window_bounds = array<i64: 1, 1>}, {pipeline_mode = #tpu.pipeline_mode<synchronous>, transform_indices = @transform_5, window_bounds = array<i64: 128, 1>}, {pipeline_mode = #tpu.pipeline_mode<synchronous>, transform_indices = @transform_6, window_bounds = array<i64: 1, 1>}, {pipeline_mode = #tpu.pipeline_mode<synchronous>, transform_indices = @transform_7, window_bounds = array<i64: 128, 3>}, {pipeline_mode = #tpu.pipeline_mode<synchronous>, transform_indices = @transform_8, window_bounds = array<i64: 1, 3>}, {transform_indices = @transform_9, window_bounds = array<i64: 4000, 5>}]} {
    %get3A = arith.constant 0 : index
    %get3A_0 = arith.constant 0 : index
    %get3A_1 = vector.load %arg1[%get3A, %get3A_0] : memref<4000x128xf32, #tpu.memory_space<vmem>>, vector<4000x128xf32>
    %get3A_2 = arith.constant 0 : index
    %get3A_3 = arith.constant 0 : index
    %get3A_4 = vector.load %arg2[%get3A_2, %get3A_3] : memref<128x384xf32, #tpu.memory_space<vmem>>, vector<128x384xf32>
    %dot_general3A = arith.constant dense<0.000000e+00> : vector<4000x384xf32>
    %dot_general3A_5 = tpu.matmul %get3A_1, %get3A_4, %dot_general3A {dimension_numbers = #tpu.dot_dimension_numbers<[1], [0], [0], [1], [0, 0, 1, 1], [], []>, transpose_lhs_hint = false} : vector<4000x128xf32>, vector<128x384xf32>, vector<4000x384xf32> -> vector<4000x384xf32>
    %get3A_6 = arith.constant 0 : index
    %get3A_7 = arith.constant 0 : index
    %get3A_8 = vector.load %arg3[%get3A_6, %get3A_7] : memref<1x384xf32, #tpu.memory_space<vmem>>, vector<1x384xf32>
    %add3A = vector.broadcast %get3A_8 : vector<1x384xf32> to vector<4000x384xf32>
    %add3A_9 = arith.addf %dot_general3A_5, %add3A : vector<4000x384xf32>
    %max3A = arith.constant 0.000000e+00 : f32
    %max3A_10 = vector.broadcast %max3A : f32 to vector<4000x384xf32>
    %max3A_11 = arith.maximumf %add3A_9, %max3A_10 : vector<4000x384xf32>
    %slice3A = vector.extract_strided_slice %max3A_11 {offsets = [0, 0], sizes = [4000, 128], strides = [1, 1]} : vector<4000x384xf32> to vector<4000x128xf32>
    %get3A_12 = arith.constant 0 : index
    %get3A_13 = arith.constant 0 : index
    %get3A_14 = vector.load %arg4[%get3A_12, %get3A_13] : memref<128x1xf32, #tpu.memory_space<vmem>>, vector<128x1xf32>
    %dot_general3A_15 = arith.constant dense<0.000000e+00> : vector<4000x1xf32>
    %dot_general3A_16 = tpu.matmul %slice3A, %get3A_14, %dot_general3A_15 {dimension_numbers = #tpu.dot_dimension_numbers<[1], [0], [0], [1], [0, 0, 1, 1], [], []>, transpose_lhs_hint = false} : vector<4000x128xf32>, vector<128x1xf32>, vector<4000x1xf32> -> vector<4000x1xf32>
    %get3A_17 = arith.constant 0 : index
    %get3A_18 = arith.constant 0 : index
    %get3A_19 = vector.load %arg5[%get3A_17, %get3A_18] : memref<1x1xf32, #tpu.memory_space<vmem>>, vector<1x1xf32>
    %add3A_20 = vector.broadcast %get3A_19 : vector<1x1xf32> to vector<4000x1xf32>
    %add3A_21 = arith.addf %dot_general3A_16, %add3A_20 : vector<4000x1xf32>
    %slice3A_22 = vector.extract_strided_slice %max3A_11 {offsets = [0, 128], sizes = [4000, 128], strides = [1, 1]} : vector<4000x384xf32> to vector<4000x128xf32>
    %get3A_23 = arith.constant 0 : index
    %get3A_24 = arith.constant 0 : index
    %get3A_25 = vector.load %arg6[%get3A_23, %get3A_24] : memref<128x1xf32, #tpu.memory_space<vmem>>, vector<128x1xf32>
    %dot_general3A_26 = arith.constant dense<0.000000e+00> : vector<4000x1xf32>
    %dot_general3A_27 = tpu.matmul %slice3A_22, %get3A_25, %dot_general3A_26 {dimension_numbers = #tpu.dot_dimension_numbers<[1], [0], [0], [1], [0, 0, 1, 1], [], []>, transpose_lhs_hint = false} : vector<4000x128xf32>, vector<128x1xf32>, vector<4000x1xf32> -> vector<4000x1xf32>
    %get3A_28 = arith.constant 0 : index
    %get3A_29 = arith.constant 0 : index
    %get3A_30 = vector.load %arg7[%get3A_28, %get3A_29] : memref<1x1xf32, #tpu.memory_space<vmem>>, vector<1x1xf32>
    %add3A_31 = vector.broadcast %get3A_30 : vector<1x1xf32> to vector<4000x1xf32>
    %add3A_32 = arith.addf %dot_general3A_27, %add3A_31 : vector<4000x1xf32>
    %slice3A_33 = vector.extract_strided_slice %max3A_11 {offsets = [0, 256], sizes = [4000, 128], strides = [1, 1]} : vector<4000x384xf32> to vector<4000x128xf32>
    %get3A_34 = arith.constant 0 : index
    %get3A_35 = arith.constant 0 : index
    %get3A_36 = vector.load %arg8[%get3A_34, %get3A_35] : memref<128x3xf32, #tpu.memory_space<vmem>>, vector<128x3xf32>
    %dot_general3A_37 = arith.constant dense<0.000000e+00> : vector<4000x3xf32>
    %dot_general3A_38 = tpu.matmul %slice3A_33, %get3A_36, %dot_general3A_37 {dimension_numbers = #tpu.dot_dimension_numbers<[1], [0], [0], [1], [0, 0, 1, 1], [], []>, transpose_lhs_hint = false} : vector<4000x128xf32>, vector<128x3xf32>, vector<4000x3xf32> -> vector<4000x3xf32>
    %get3A_39 = arith.constant 0 : index
    %get3A_40 = arith.constant 0 : index
    %get3A_41 = vector.load %arg9[%get3A_39, %get3A_40] : memref<1x3xf32, #tpu.memory_space<vmem>>, vector<1x3xf32>
    %add3A_42 = vector.broadcast %get3A_41 : vector<1x3xf32> to vector<4000x3xf32>
    %add3A_43 = arith.addf %dot_general3A_38, %add3A_42 : vector<4000x3xf32>
    %concatenate3A = tpu.concatenate %add3A_21, %add3A_32, %add3A_43 in 1 : vector<4000x1xf32>, vector<4000x1xf32>, vector<4000x3xf32> -> vector<4000x5xf32>
    %swap3A = arith.constant 0 : index
    %swap3A_44 = arith.constant 0 : index
    %swap3A_45 = vector.load %arg10[%swap3A, %swap3A_44] : memref<4000x5xf32, #tpu.memory_space<vmem>>, vector<4000x5xf32>
    tpu.vector_store %arg10[%swap3A, %swap3A_44], %concatenate3A {strides = array<i32>} : memref<4000x5xf32, #tpu.memory_space<vmem>>, vector<4000x5xf32>,
    return
  }
  func.func @transform_0(%arg0: i32) -> (i32, i32) {
    %c0_i32 = arith.constant 0 : i32
    %c0_i32_0 = arith.constant 0 : i32
    return %arg0, %c0_i32 : i32, i32
  }
  func.func @transform_1(%arg0: i32) -> (i32, i32) {
    %c0_i32 = arith.constant 0 : i32
    %c0_i32_0 = arith.constant 0 : i32
    %c0_i32_1 = arith.constant 0 : i32
    return %c0_i32, %c0_i32_0 : i32, i32
  }
  func.func @transform_2(%arg0: i32) -> (i32, i32) {
    %c0_i32 = arith.constant 0 : i32
    %c0_i32_0 = arith.constant 0 : i32
    %c0_i32_1 = arith.constant 0 : i32
    return %c0_i32, %c0_i32_0 : i32, i32
  }
  func.func @transform_3(%arg0: i32) -> (i32, i32) {
    %c0_i32 = arith.constant 0 : i32
    %c0_i32_0 = arith.constant 0 : i32
    %c0_i32_1 = arith.constant 0 : i32
    return %c0_i32, %c0_i32_0 : i32, i32
  }
  func.func @transform_4(%arg0: i32) -> (i32, i32) {
    %c0_i32 = arith.constant 0 : i32
    %c0_i32_0 = arith.constant 0 : i32
    %c0_i32_1 = arith.constant 0 : i32
    return %c0_i32, %c0_i32_0 : i32, i32
  }
  func.func @transform_5(%arg0: i32) -> (i32, i32) {
    %c0_i32 = arith.constant 0 : i32
    %c0_i32_0 = arith.constant 0 : i32
    %c0_i32_1 = arith.constant 0 : i32
    return %c0_i32, %c0_i32_0 : i32, i32
  }
  func.func @transform_6(%arg0: i32) -> (i32, i32) {
    %c0_i32 = arith.constant 0 : i32
    %c0_i32_0 = arith.constant 0 : i32
    %c0_i32_1 = arith.constant 0 : i32
    return %c0_i32, %c0_i32_0 : i32, i32
  }
  func.func @transform_7(%arg0: i32) -> (i32, i32) {
    %c0_i32 = arith.constant 0 : i32
    %c0_i32_0 = arith.constant 0 : i32
    %c0_i32_1 = arith.constant 0 : i32
    return %c0_i32, %c0_i32_0 : i32, i32
  }
  func.func @transform_8(%arg0: i32) -> (i32, i32) {
    %c0_i32 = arith.constant 0 : i32
    %c0_i32_0 = arith.constant 0 : i32
    %c0_i32_1 = arith.constant 0 : i32
    return %c0_i32, %c0_i32_0 : i32, i32
  }
  func.func @transform_9(%arg0: i32) -> (i32, i32) {
    %c0_i32 = arith.constant 0 : i32
    %c0_i32_0 = arith.constant 0 : i32
    return %arg0, %c0_i32 : i32, i32
  }
}

module attributes {stable_mosaic.version = 14 : i64} {
  func.func @_combine_body(%arg0: i32, %arg1: memref<4000x5xf32, #tpu.memory_space<vmem>>, %arg2: memref<2x4000x8xf32, #tpu.memory_space<vmem>>, %arg3: memref<4000x3xf32, #tpu.memory_space<vmem>>, %arg4: memref<4000x3xf32, #tpu.memory_space<vmem>>) attributes {dimension_semantics = [#tpu.dimension_semantics<arbitrary>], iteration_bounds = array<i64: 25>, scalar_prefetch = 0 : i64, scratch_operands = 0 : i64, tpu.core_type = #tpu.core_type<tc>, window_params = [{transform_indices = @transform_0, window_bounds = array<i64: 4000, 5>}, {transform_indices = @transform_1, window_bounds = array<i64: 2, 4000, 8>}, {transform_indices = @transform_2, window_bounds = array<i64: 4000, 3>}, {transform_indices = @transform_3, window_bounds = array<i64: 4000, 3>}]} {
    %get3A = arith.constant 0 : index
    %get3A_0 = arith.constant 0 : index
    %get3A_1 = vector.load %arg1[%get3A, %get3A_0] : memref<4000x5xf32, #tpu.memory_space<vmem>>, vector<4000x5xf32>
    %get3A_2 = arith.constant 0 : index
    %get3A_3 = arith.constant 0 : index
    %get3A_4 = arith.constant 0 : index
    %get3A_5 = vector.load %arg2[%get3A_2, %get3A_3, %get3A_4] : memref<2x4000x8xf32, #tpu.memory_space<vmem>>, vector<1x4000x8xf32>
    %get3A_6 = vector.shape_cast %get3A_5 : vector<1x4000x8xf32> to vector<4000x8xf32>
    %get3A_7 = arith.constant 1 : index
    %get3A_8 = arith.constant 0 : index
    %get3A_9 = arith.constant 0 : index
    %get3A_10 = vector.load %arg2[%get3A_7, %get3A_8, %get3A_9] : memref<2x4000x8xf32, #tpu.memory_space<vmem>>, vector<1x4000x8xf32>
    %get3A_11 = vector.shape_cast %get3A_10 : vector<1x4000x8xf32> to vector<4000x8xf32>
    %add3A = arith.addf %get3A_6, %get3A_11 : vector<4000x8xf32>
    %slice3A = vector.extract_strided_slice %add3A {offsets = [0, 0], sizes = [4000, 3], strides = [1, 1]} : vector<4000x8xf32> to vector<4000x3xf32>
    %slice3A_12 = vector.extract_strided_slice %add3A {offsets = [0, 4], sizes = [4000, 3], strides = [1, 1]} : vector<4000x8xf32> to vector<4000x3xf32>
    %slice3A_13 = vector.extract_strided_slice %get3A_1 {offsets = [0, 0], sizes = [4000, 1], strides = [1, 1]} : vector<4000x5xf32> to vector<4000x1xf32>
    %mul3A = vector.broadcast %slice3A_13 : vector<4000x1xf32> to vector<4000x3xf32>
    %mul3A_14 = arith.mulf %mul3A, %slice3A : vector<4000x3xf32>
    %slice3A_15 = vector.extract_strided_slice %get3A_1 {offsets = [0, 2], sizes = [4000, 3], strides = [1, 1]} : vector<4000x5xf32> to vector<4000x3xf32>
    %add3A_16 = arith.addf %mul3A_14, %slice3A_15 : vector<4000x3xf32>
    %swap3A = arith.constant 0 : index
    %swap3A_17 = arith.constant 0 : index
    %swap3A_18 = vector.load %arg3[%swap3A, %swap3A_17] : memref<4000x3xf32, #tpu.memory_space<vmem>>, vector<4000x3xf32>
    tpu.vector_store %arg3[%swap3A, %swap3A_17], %add3A_16 {strides = array<i32>} : memref<4000x3xf32, #tpu.memory_space<vmem>>, vector<4000x3xf32>,
    %slice3A_19 = vector.extract_strided_slice %get3A_1 {offsets = [0, 1], sizes = [4000, 1], strides = [1, 1]} : vector<4000x5xf32> to vector<4000x1xf32>
    %mul3A_20 = vector.broadcast %slice3A_19 : vector<4000x1xf32> to vector<4000x3xf32>
    %mul3A_21 = arith.mulf %mul3A_20, %slice3A_12 : vector<4000x3xf32>
    %swap3A_22 = arith.constant 0 : index
    %swap3A_23 = arith.constant 0 : index
    %swap3A_24 = vector.load %arg4[%swap3A_22, %swap3A_23] : memref<4000x3xf32, #tpu.memory_space<vmem>>, vector<4000x3xf32>
    tpu.vector_store %arg4[%swap3A_22, %swap3A_23], %mul3A_21 {strides = array<i32>} : memref<4000x3xf32, #tpu.memory_space<vmem>>, vector<4000x3xf32>,
    return
  }
  func.func @transform_0(%arg0: i32) -> (i32, i32) {
    %c0_i32 = arith.constant 0 : i32
    %c0_i32_0 = arith.constant 0 : i32
    return %arg0, %c0_i32 : i32, i32
  }
  func.func @transform_1(%arg0: i32) -> (i32, i32, i32) {
    %c0_i32 = arith.constant 0 : i32
    %c0_i32_0 = arith.constant 0 : i32
    %c0_i32_1 = arith.constant 0 : i32
    return %c0_i32, %arg0, %c0_i32_0 : i32, i32, i32
  }
  func.func @transform_2(%arg0: i32) -> (i32, i32) {
    %c0_i32 = arith.constant 0 : i32
    %c0_i32_0 = arith.constant 0 : i32
    return %arg0, %c0_i32 : i32, i32
  }
  func.func @transform_3(%arg0: i32) -> (i32, i32) {
    %c0_i32 = arith.constant 0 : i32
    %c0_i32_0 = arith.constant 0 : i32
    return %arg0, %c0_i32 : i32, i32
  }
}

</mosaic_0001>

<sc_bundles>
// kernel: kernel.5.cloned.1.call-start
scs
__scs_entry_jumppad:
0x0: {  	(pc) =	sbr.rel $0x88, $3  }
0x1: {  	(tag) =	ssettag $0x0;
	lr =	simm.s32 $0x1  }
0x2: {  	[smem:$0x3F91] =	sst lr;
	_ =	strace $0xD0000000  }
0x3: {  	_ = 	snop  }
0x4: {  	_ = 	snop  }
0x5: {  	_ = 	snop  }
0x6: {  	_ = 	snop  }
0x7: {  	_ = 	snop  }
__scs_overlays_trampoline_lowered:
0x8: {  	[smem:$0x3FA0] =	sst s0  }
0x9: {  	[smem:$0x3FA1] =	sst s1  }
0xa: {  	[smem:$0x3FA2] =	sst s2  }
0xb: {  	[smem:$0x3FA3] =	sst s3  }
0xc: {  	[smem:$0x3FA4] =	sst s4  }
0xd: {  	[smem:$0x3FA5] =	sst s5  }
0xe: {  	[smem:$0x3FA6] =	sst s6  }
0xf: {  	[smem:$0x3FA7] =	sst s7  }
0x10: {  	[smem:$0x3FA8] =	sst s8  }
0x11: {  	[smem:$0x3FA9] =	sst s9;
	s0 =	simm.s32 @!p0 $0x0  }
0x12: {  	s1 =	sld [smem:$0x3F8F];
	s0 =	simm.s32 @p0 $0x1  }
0x13: {  	[smem:$0x3FAA] =	sst s0;
	s0 =	simm.s32 @!p1 $0x0  }
0x14: {  	s2 =	sld [smem:$0x3F8E];
	s0 =	simm.s32 @p1 $0x1  }
0x15: {  	[smem:$0x3FAB] =	sst s0;
	s0 =	simm.s32 @!p2 $0x0  }
0x16: {  	s3 =	sld [smem:$0x3FDB];
	s0 =	simm.s32 @p2 $0x1  }
0x17: {  	s4 =	simm.s32 $0x1BF5;
	[smem:$0x3FAD] =	sst s0  }
0x18: {  	s0 =	sld [smem:$0x3F90];
	_ =	swait.ge [sflag:s4], $0x0  }
0x19: {  	s7 =	sld [smem:$0x3F91]  }
0x1a: {  	s8 =	sadd.s32 $0xFFFFE003, lr  }
0x1b: {  	s9 =	sadd.s32 $0xFFFFFEF7, lr;
	s5 =	simm.s32 $0xFFFFFFFF;
	p2 =	slt.u32 s8, $0xFFFFF086  }
0x1c: {  	p1 =	slt.u32 s9, $0xF7A;
	s5 =	simm.s32 @!p2 $0x0  }
0x1d: {  	s5 =	simm.s32 @p1 $0x1;
	p0 =	seq.s32 s7, s2  }
0x1e: {  	s7 =	smul.u32 @!p0 $0xF7A, s2;
	p2 =	seq.s32 @!p0 s5, $0x0  }
0x1f: {  	s9 =	smul.u32 $0xF7A, s1;
	s8 =	simm.s32 @!p0 $0x1BF5;
	p2 =	por !p2, p0  }
0x20: {  	[sflag:s8] =	ssyncset.s32 @!p0 $0xFFFFF086;
	s6 =	sadd.s32 @!p0 s3, s7;
	s7 =	simm.s32 @!p0 $0x108  }
0x21: {  	s3 =	sadd.s32 s3, s9;
	s6 =	sadd.s32 @!p0 $0x88, s6;
	s7 =	simm.s32 @p2 $0x1082  }
0x22: {  	[simem:s7], [sflag:s8] =	dma.local @!p0 [hbm:s6], $0xF7A  }
0x23: {  	s9 =	sor.u32 $0xD0000000, s2;
	s6 =	simm.s32 $0x108;
	_ =	swait.ge @!p0 [sflag:s8], $0x0  }
0x24: {  	s3 =	sadd.s32 $0x88, s3;
	s6 =	simm.s32 @!p1 $0x1082;
	[sflag:s4] =	ssyncset.s32 $0xFFFFF086  }
0x25: {  	[simem:s6], [sflag:s4] =	dma.local [hbm:s3], $0xF7A  }
0x26: {  	[smem:$0x3F91] =	sst s1;
	(tag) =	ssettag s2;
	_ =	strace s9  }
0x27: {  	s1 =	sld [smem:$0x3FA1]  }
0x28: {  	s2 =	sld [smem:$0x3FA2]  }
0x29: {  	s4 =	sld [smem:$0x3FA4]  }
0x2a: {  	p0 =	seq.s32 s5, $0x0;
	s5 =	sld [smem:$0x3FA5]  }
0x2b: {  	s6 =	sld [smem:$0x3FA6]  }
0x2c: {  	s7 =	sld [smem:$0x3FA7]  }
0x2d: {  	s3 =	simm.s32 $0x108;
	s8 =	sld [smem:$0x3FA8]  }
0x2e: {  	s3 =	simm.s32 @!p0 $0x1082;
	s9 =	sld [smem:$0x3FA9]  }
0x2f: {  	lr =	sadd.s32 s0, s3;
	s0 =	sld [smem:$0x3FA0]  }
0x30: {  	s3 =	sld [smem:$0x3FA3]  }
0x31: {  	[smem:$0x3FAC] =	sst s10  }
0x32: {  	s10 =	sld [smem:$0x3FAA];
	_ =	sdelay $0x3  }
0x33: {  	p0 =	seq.s32 s10, $0x1;
	s10 =	sld [smem:$0x3FAC];
	_ =	sdelay $0x3  }
0x34: {  	[smem:$0x3FAC] =	sst s10  }
0x35: {  	s10 =	sld [smem:$0x3FAB];
	_ =	sdelay $0x3  }
0x36: {  	p1 =	seq.s32 s10, $0x1;
	s10 =	sld [smem:$0x3FAC];
	_ =	sdelay $0x3  }
0x37: {  	[smem:$0x3FAC] =	sst s10  }
0x38: {  	s10 =	sld [smem:$0x3FAD]  }
0x39: {  	_ = 	snop;
	(pc) =	sbr.ind lr, $3  }
0x3a: {  	_ = 	snop  }
0x3b: {  	_ = 	snop  }
0x3c: {  	p2 =	seq.s32 s10, $0x1;
	s10 =	sld [smem:$0x3FAC]  }
0x3d: {  	_ =	shalt  }
0x3e: {  	_ =	shalt  }
0x3f: {  	_ =	shalt  }
0x40: {  	_ =	shalt  }
0x41: {  	_ =	shalt  }
0x42: {  	_ =	shalt  }
0x43: {  	_ =	shalt  }
0x44: {  	_ =	shalt  }
0x45: {  	_ =	shalt  }
0x46: {  	_ =	shalt  }
0x47: {  	_ =	shalt  }
0x48: {  	_ =	shalt  }
0x49: {  	_ =	shalt  }
0x4a: {  	_ =	shalt  }
0x4b: {  	_ =	shalt  }
0x4c: {  	_ =	shalt  }
0x4d: {  	_ =	shalt  }
0x4e: {  	_ =	shalt  }
0x4f: {  	_ =	shalt  }
0x50: {  	_ =	shalt  }
0x51: {  	_ =	shalt  }
0x52: {  	_ =	shalt  }
0x53: {  	_ =	shalt  }
0x54: {  	_ =	shalt  }
0x55: {  	_ =	shalt  }
0x56: {  	_ =	shalt  }
0x57: {  	_ =	shalt  }
0x58: {  	_ =	shalt  }
0x59: {  	_ =	shalt  }
0x5a: {  	_ =	shalt  }
0x5b: {  	_ =	shalt  }
0x5c: {  	_ =	shalt  }
0x5d: {  	_ =	shalt  }
0x5e: {  	_ =	shalt  }
0x5f: {  	_ =	shalt  }
0x60: {  	_ =	shalt  }
0x61: {  	_ =	shalt  }
0x62: {  	_ =	shalt  }
0x63: {  	_ =	shalt  }
0x64: {  	_ =	shalt  }
0x65: {  	_ =	shalt  }
0x66: {  	_ =	shalt  }
0x67: {  	_ =	shalt  }
0x68: {  	_ =	shalt  }
0x69: {  	_ =	shalt  }
0x6a: {  	_ =	shalt  }
0x6b: {  	_ =	shalt  }
0x6c: {  	_ =	shalt  }
0x6d: {  	_ =	shalt  }
0x6e: {  	_ =	shalt  }
0x6f: {  	_ =	shalt  }
0x70: {  	_ =	shalt  }
0x71: {  	_ =	shalt  }
0x72: {  	_ =	shalt  }
0x73: {  	_ =	shalt  }
0x74: {  	_ =	shalt  }
0x75: {  	_ =	shalt  }
0x76: {  	_ =	shalt  }
0x77: {  	_ =	shalt  }
0x78: {  	_ =	shalt  }
0x79: {  	_ =	shalt  }
0x7a: {  	_ =	shalt  }
0x7b: {  	_ =	shalt  }
0x7c: {  	_ =	shalt  }
0x7d: {  	_ =	shalt  }
0x7e: {  	_ =	shalt  }
0x7f: {  	_ =	shalt  }
0x80: {  	_ =	shalt  }
0x81: {  	_ =	shalt  }
0x82: {  	_ =	shalt  }
0x83: {  	_ =	shalt  }
0x84: {  	_ =	shalt  }
0x85: {  	_ =	shalt  }
0x86: {  	_ =	shalt  }
0x87: {  	_ =	shalt  }
.Lfunc_end0:
.L_simem_size_0:
called_computation_lowered:
.L_overlay_start_0:
0x88: {  	s2 =	sld [smem:$0x3FD9]  }
0x89: {  	s3 =	sld [smem:$0x3FFE];
	_ =	sdelay $0x1  }
0x8a: {  	s1 =	srdreg.scid  }
0x8b: {  	s0 =	sand.u32 $0x1, s1  }
0x8c: {  	s14 =	sshll.u32 s0, $0xA;
	s2 =	sadd.s32 s3, s2  }
0x8d: {  	s2 =	sadd.s32 s2, s14  }
0x8e: {  	[smem:$0x3FB8] =	sst s2  }
0x8f: {  	_ = 	snop  }
0x90: {  	s2 =	sld [smem:$0x3FD0];
	_ =	sdelay $0x2  }
0x91: {  	s15 =	simm.s32 $0xA;
	s4 =	simm.s32 $0x10  }
0x92: {  	[smem:s4], [sflag:s15] =	dma.local [hbm:s2], $0x1  }
0x93: {  	_ =	swait.eq [sflag:s15], $0x1  }
0x94: {  	[sflag:s15] =	ssyncset.done $0x0  }
0x95: {  	[sflag:s15] =	ssyncadd.s32 $0xFFFFFFFF  }
0x96: {  	s16 =	sld [smem:$0x11];
	(tm) =	ssettm $0x1  }
0x97: {  	s17 =	sld [smem:$0x3FFB];
	_ =	sdelay $0x3  }
0x98: {  	_ =	strace s17  }
0x99: {  	s3 =	sld [smem:$0x3FFC];
	_ =	sdelay $0x3  }
0x9a: {  	_ =	strace s3  }
0x9b: {  	s3 =	sld [smem:$0x3FFD];
	_ =	sdelay $0x3  }
0x9c: {  	_ =	strace s3  }
0x9d: {  	_ =	strace $0x8FFFFFFF  }
0x9e: {  	s18 =	sld [smem:$0x3FDB];
	_ =	sdelay $0x1  }
0x9f: {  	s19 =	simm.s32 $_scs_section_size  }
0xa0: {  	s5 =	simm.s32 $_size__tile_overlayer_lowered;
	s6 =	simm.s32 $_tile_overlayer_lowered  }
0xa1: {  	s22 =	simm.s32 $0x1BFF;
	s21 =	sshll.u32 s6, $0x1;
	s3 =	sadd.s32 s19, s18  }
0xa2: {  	s7 =	simm.s32 $0x0;
	s20 =	sshll.u32 s5, $0x1;
	s5 =	sadd.s32 s21, s3  }
0xa3: {  	[timem:s7], [sflag:s22] =	dma.local [hbm:s5], s20  }
0xa4: {  	_ =	swait.ge [sflag:s22], s20  }
0xa5: {  	s4 =	ssub.s32 $0x0, s20;
	[sflag:s22] =	ssyncset.done $0x0  }
0xa6: {  	[sflag:s22] =	ssyncadd.s32 s4;
	_ =	sdelay $0x1  }
0xa7: {  	s23 =	simm.s32 $0x1B8B  }
0xa8: {  	_ =	swait.ge [sflag:s23], $0x1  }
0xa9: {  	[sflag:s23] =	ssyncset.done $0x0  }
0xaa: {  	s25 =	simm.s32 $0x1B8E;
	s24 =	sld [smem:$0x3FFE];
	[sflag:s23] =	ssyncadd.s32 $0xFFFFFFFF  }
0xab: {  	s26 =	simm.s32 $execute0_lowered;
	[smem:$0x3FD2] =	sst s25  }
0xac: {  	s5 =	sshll.u32 s26, $0x1;
	_ =	strace $0x80000046;
	[dreg:$0x1] =	wrdreg $0xFFFFFFFF  }
0xad: {  	s28 =	simm.s32 $_size_execute0_lowered;
	s3 =	sadd.s32 s3, s5;
	[dreg:$0x0] =	wrdreg $0x0  }
0xae: {  	s5 =	sshll.u32 s28, $0x1;
	[dreg:$0x2] =	wrdreg s3  }
0xaf: {  	[dreg:$0x3] =	wrdreg s5  }
0xb0: {  	[dreg:$0x4] =	wrdreg $0xC0  }
0xb1: {  	_ =	task [dreg:s7], $0x5FFFF  }
0xb2: {  	[dreg:$0x1] =	wrdreg $0xFFFFFFFF  }
0xb3: {  	[dreg:$0x0] =	wrdreg $0x60  }
0xb4: {  	[dreg:$0x2] =	wrdreg s24  }
0xb5: {  	[dreg:$0x3] =	wrdreg s16  }
0xb6: {  	[dreg:$0x4] =	wrdreg $0x0  }
0xb7: {  	[dreg:$0x5] =	wrdreg $0x9  }
0xb8: {  	_ =	task.clear_ibuf [dreg:s7], $0x6FFFF;
	_ =	strace $0x90000046  }
0xb9: {  	s29 =	simm.s32 $0x9;
	_ =	strace $0x80000048  }
0xba: {  	_ =	swait.ge [sflag:s29], $0x1  }
0xbb: {  	[sflag:s29] =	ssyncadd.s32 $0xFFFFFFFF  }
0xbc: {  	_ =	strace $0x90000048  }
0xbd: {  	_ =	sfence  }
0xbe: {  	s30 =	sld [smem:$0x0];
	_ =	sdelay $0x2  }
0xbf: {  	s31 =	sshll.u32 s1, $0xD;
	s1 =	sshrl.u32 s1, $0x2  }
0xc0: {  	s3 =	sand.u32 $0x4000, s31;
	s1 =	sadd.s32 s1, s30  }
0xc1: {  	s0 =	sor.u32 s3, s0;
	s1 =	sshll.u32 s1, $0x11  }
0xc2: {  	s0 =	sor.u32 s1, s0  }
0xc3: {  	s0 =	sadd.s32 $0x8F2B, s0  }
0xc4: {  	[sflag:s0] =	ssyncadd.remote.s32 $0x1  }
0xc5: {  	_ =	sfence.sel $0xFFFF  }
0xc6: {  	[dreg:$0x0] =	wrdreg $0xFFFFFFFF;
	(pc) =	sbr.abs _section_cstart, $3  }
0xc7: {  	[dreg:$0x1] =	wrdreg $0xFFFFFFFF  }
0xc8: {  	_ =	task.clear_ibuf [dreg:s7], $0x2FFFF;
	_ =	strace $0x9FFFFFFF  }
0xc9: {  	(tm) =	ssettm $0x7FFFFFFF  }
tec
execute0_lowered:
.L_overlay_start_1:
0x0: {  	(tag) =	ssettag $0x1  }
0x1: {  	s0 =	rddreg [dreg:$0x0]  }
0x2: {  	s2 =	rddreg [dreg:$0x1]  }
0x3: {  	s3 =	rddreg [dreg:$0x2]  }
0x4: {  	s1 =	srdreg.scid;
	s12 =	stileid.u32  }
0x5: {  	s4 =	simm.s32 $0x0;
	s15 =	simm.s32 $0x3;
	s16 =	simm.s32 $0xC350  }
0x6: {  	s17 =	simm.s32 $0xD750;
	s18 =	simm.s32 $0x1;
	s19 =	simm.s32 $0x12750  }
0x7: {  	s20 =	simm.s32 $0x80;
	s1 =	sand.u32 $0x1, s1;
	s8 =	smul.u32 $0xC350, s12  }
0x8: {  	s21 =	simm.s32 $0x2;
	s22 =	simm.s32 $0x0;
	s7 =	smul.u32 $0xC3500, s1  }
0x9: {  	[smem:$0x7FF] =	sst s4;
	s5 =	sadd.s32 $0x1A00, s0;
	s6 =	sadd.s32 $0x63600, s0  }
0xa: {  	s10 =	sshll.u32 s12, $0x1;
	s29 =	sshll.u32 s12, $0x6;
	s7 =	sadd.s32 s8, s7  }
0xb: {  	v0 =	vlaneseq.u32;
	_ =	strace $0x80000047;
	s9 =	ssub.s32 $0x2, s1;
	s7 =	sshrl.u32 s7, $0x3  }
0xc: {  	v0 =	vmul.u32 $0x8, v0;
	s11 =	sshrl.u32 s9, $0x1;
	s0 =	sadd.s32 s7, s0;
	s7 =	sor.u32 s1, s10  }
0xd: {  	s14 =	sadd.s32 s8, s3;
	s28 =	ssub.s32 s9, s11;
	s10 =	smul.u32 $0xA0, s7  }
0xe: {  	v1 =	vor.u32 $0x380, v0;
	s8 =	sor.u32 $0x1C03, s29;
	s14 =	sshrl.u32 s14, $0x3;
	s31 =	smul.u32 $0x500, s7  }
0xf: {  	v2 =	vor.u32 $0x300, v0;
	v3 =	vor.u32 $0x280, v0;
	v4 =	vor.u32 $0x200, v0;
	s13 =	smax.u32 s28, $0x1;
	s30 =	ssub.s32 $0x9E3, s7;
	s12 =	sadd.s32 $0x370A00, s0  }
0x10: {  	v5 =	vor.u32 $0x180, v0;
	v6 =	vor.u32 $0x100, v0;
	v7 =	vor.u32 $0x80, v0;
	s9 =	sshrl.u32 s30, $0x5;
	s10 =	sadd.s32 s5, s10;
	s11 =	sadd.s32 s6, s31  }
.LBB2_1:
0x11: {  	[spmem:s14], [sflag:s8] =	dma.local [hbm:s2], $0x186A  }
0x12: {  	_ =	swait.ge [sflag:s15], $0x186A  }
0x13: {  	[sflag:s15] =	ssyncset.done $0x0  }
0x14: {  	[sflag:s15] =	ssyncadd.s32 $0xFFFFE796  }
0x15: {  	[bflag:$0x0] =	sbarrier.arrive $0xFFFF  }
0x16: {  	[tilespmem:s16], [sflag:$0x1] =	stream.linear.gather [hbm4b:s10+s4], $0x500, $0x38;
	[tilespmem:$0x17750] =	vst v63  }
0x17: {  	s23 =	simm.s32 $0x0  }
0x18: {  	[tilespmem:s17], [sflag:$0x1] =	stream.linear.gather [hbm4b:s11+s4], $0x2800, $0x38;
	[tilespmem:$0x17750] =	vst v63  }
.LBB2_2:
0x19: {  	_ =	swait.ge [sflag:s18], $0x500  }
0x1a: {  	[sflag:s18] =	ssyncset.done $0x0  }
0x1b: {  	[sflag:s18] =	ssyncadd.s32 $0xFFFFFB00  }
0x1c: {  	_ =	swait.ge [sflag:s18], $0x2800  }
0x1d: {  	p0 =	slt.u32 s23, $0x2;
	[sflag:s18] =	ssyncset.done $0x0  }
0x1e: {  	s0 =	simm.s32 @!p0 $0x2;
	[sflag:s18] =	ssyncadd.s32 $0xFFFFD800  }
0x1f: {  	_ =	swait.ge @!p0 [sflag:s0], $0x400  }
0x20: {  	[sflag:s0] =	ssyncset.done @!p0 $0x0  }
0x21: {  	[sflag:s0] =	ssyncadd.s32 @!p0 $0xFFFFFC00  }
0x22: {  	_ =	swait.ge @!p0 [sflag:s0], $0x400  }
0x23: {  	[sflag:s0] =	ssyncset.done @!p0 $0x0  }
0x24: {  	[sflag:s0] =	ssyncadd.s32 @!p0 $0xFFFFFC00  }
0x25: {  	_ =	swait.ge @!p0 [sflag:s0], $0x400  }
0x26: {  	[sflag:s0] =	ssyncset.done @!p0 $0x0  }
0x27: {  	[sflag:s0] =	ssyncadd.s32 @!p0 $0xFFFFFC00  }
0x28: {  	_ =	swait.ge @!p0 [sflag:s0], $0x400  }
0x29: {  	[sflag:s0] =	ssyncset.done @!p0 $0x0  }
0x2a: {  	[sflag:s0] =	ssyncadd.s32 @!p0 $0xFFFFFC00  }
0x2b: {  	_ =	swait.ge @!p0 [sflag:s0], $0x400  }
0x2c: {  	[sflag:s0] =	ssyncset.done @!p0 $0x0  }
0x2d: {  	[sflag:s0] =	ssyncadd.s32 @!p0 $0xFFFFFC00  }
0x2e: {  	_ =	swait.ge @!p0 [sflag:s0], $0x400  }
0x2f: {  	[sflag:s0] =	ssyncset.done @!p0 $0x0  }
0x30: {  	[sflag:s0] =	ssyncadd.s32 @!p0 $0xFFFFFC00  }
0x31: {  	_ =	swait.ge @!p0 [sflag:s0], $0x400  }
0x32: {  	[sflag:s0] =	ssyncset.done @!p0 $0x0  }
0x33: {  	[sflag:s0] =	ssyncadd.s32 @!p0 $0xFFFFFC00  }
0x34: {  	_ =	swait.ge @!p0 [sflag:s0], $0x400  }
0x35: {  	[sflag:s0] =	ssyncset.done @!p0 $0x0  }
0x36: {  	s1 =	sand.u32 $0x1, s23;
	[sflag:s0] =	ssyncadd.s32 @!p0 $0xFFFFFC00  }
0x37: {  	s24 =	sand.u32 $0x3, s23;
	s23 =	sadd.s32 $0x1, s23;
	_ =	swait.ge @!p0 [sflag:s0], $0x400  }
0x38: {  	p1 =	sge.u32 s23, s9;
	[sflag:s0] =	ssyncset.done @!p0 $0x0  }
0x39: {  	s25 =	sand.u32 @!p1 $0x3, s23;
	s26 =	sshll.u32 @!p1 s23, $0x5;
	[sflag:s0] =	ssyncadd.s32 @!p0 $0xFFFFFC00  }
0x3a: {  	s25 =	smul.u32 @!p1 $0x1400, s25;
	s26 =	sor.u32 @!p1 s7, s26;
	_ =	swait.ge @!p0 [sflag:s0], $0x400  }
0x3b: {  	s28 =	smul.u32 @!p1 $0xA0, s26;
	[sflag:s0] =	ssyncset.done @!p0 $0x0  }
0x3c: {  	[sflag:s0] =	ssyncadd.s32 @!p0 $0xFFFFFC00;
	s0 =	sshrl.u32 @!p1 s25, $0x2  }
0x3d: {  	s25 =	sadd.s32 @!p1 s5, s28;
	s28 =	simm.s32 @!p1 $0x0;
	s0 =	sadd.s32 @!p1 $0xC350, s0  }
0x3e: {  	[tilespmem:s0], [sflag:$0x1] =	stream.linear.gather @!p1 [hbm4b:s25+s28], $0x500, $0x38;
	[tilespmem:$0x17750] =	vst v63  }
0x3f: {  	s0 =	sand.u32 @!p1 $0x1, s23  }
0x40: {  	p0 =	seq.s32 @!p1 s0, $0x1;
	s0 =	smul.u32 @!p1 $0x500, s26  }
0x41: {  	s25 =	simm.s32 @!p1 $0xFF50;
	p0 =	por !p0, p1  }
0x42: {  	s26 =	smul.u32 $0x500, s1;
	s25 =	simm.s32 @p0 $0xD750;
	s0 =	sadd.s32 @!p1 s6, s0  }
0x43: {  	[tilespmem:s25], [sflag:$0x1] =	stream.linear.gather @!p1 [hbm4b:s0+s28], $0x2800, $0x38;
	[tilespmem:$0x17750] =	vst v63  }
0x44: {  	s31 =	simm.s32 $0x0;
	s25 =	smul.u32 $0xA000, s1  }
0x45: {  	s29 =	simm.s32 $0x0;
	s1 =	sand.u32 $0xFFFFFF80, s31  }
0x46: {  	s31 =	simm.s32 $0x0;
	s0 =	sadd.s32 s26, s1;
	s25 =	sshrl.u32 s25, $0x2  }
0x47: {  	s31 =	sand.u32 $0x7, s31;
	s1 =	sand.u32 $0x3FFFFC00, s29;
	v8 =	vmov s0;
	s28 =	sadd.s32 $0xD750, s25  }
0x48: {  	v8 =	vshll.u32 v8, $0x3;
	s0 =	sadd.s32 s1, s28;
	s1 =	sshll.u32 s31, $0x7  }
0x49: {  	v9 =	vor.u32 v0, v8;
	s0 =	sadd.s32 s1, s0  }
0x4a: {  	v9 =	vor.u32 s31, v9;
	v10 =	vld [tilespmem:s0+$0x0];
	_ =	sdelay $0x4  }
0x4b: {  	[tilespmem:v9+s19+$0x0] =	vst.idx.msk $0xffff, v10;
	v9 =	vor.u32 v7, v8  }
0x4c: {  	v10 =	vld [tilespmem:s0+$0x10];
	v9 =	vor.u32 s31, v9;
	_ =	sdelay $0x4  }
0x4d: {  	[tilespmem:v9+s19+$0x0] =	vst.idx.msk $0xffff, v10;
	v9 =	vor.u32 v6, v8  }
0x4e: {  	v10 =	vld [tilespmem:s0+$0x20];
	v9 =	vor.u32 s31, v9;
	_ =	sdelay $0x4  }
0x4f: {  	[tilespmem:v9+s19+$0x0] =	vst.idx.msk $0xffff, v10;
	v9 =	vor.u32 v5, v8  }
0x50: {  	v10 =	vld [tilespmem:s0+$0x30];
	v9 =	vor.u32 s31, v9;
	_ =	sdelay $0x4  }
0x51: {  	[tilespmem:v9+s19+$0x0] =	vst.idx.msk $0xffff, v10;
	v9 =	vor.u32 v4, v8  }
0x52: {  	v10 =	vld [tilespmem:s0+$0x40];
	v9 =	vor.u32 s31, v9;
	_ =	sdelay $0x4  }
0x53: {  	[tilespmem:v9+s19+$0x0] =	vst.idx.msk $0xffff, v10;
	v9 =	vor.u32 v3, v8  }
0x54: {  	v10 =	vld [tilespmem:s0+$0x50];
	v9 =	vor.u32 s31, v9;
	_ =	sdelay $0x4  }
0x55: {  	[tilespmem:v9+s19+$0x0] =	vst.idx.msk $0xffff, v10;
	v9 =	vor.u32 v2, v8  }
0x56: {  	v10 =	vld [tilespmem:s0+$0x60];
	v9 =	vor.u32 s31, v9;
	_ =	sdelay $0x4  }
0x57: {  	[tilespmem:v9+s19+$0x0] =	vst.idx.msk $0xffff, v10;
	v9 =	vor.u32 v1, v8  }
0x58: {  	s30 =	simm.s32 $0x2;
	s29 =	simm.s32 $0x1;
	s1 =	simm.s32 $0x10;
	v8 =	vld [tilespmem:s0+$0x70];
	v9 =	vor.u32 s31, v9  }
.LBB2_3:
0x59: {  	p0 =	sne.s32 s30, $0x4F;
	s0 =	sand.u32 $0xFFFFFF80, s1  }
0x5a: {  	s1 =	sshll.u32 s29, $0x7;
	s0 =	sadd.s32 s26, s0  }
0x5b: {  	s31 =	sand.u32 $0x7, s29;
	s29 =	smov.u32 s30;
	s1 =	sand.u32 $0x3FFFFC00, s1;
	v10 =	vmov s0  }
0x5c: {  	s0 =	sadd.s32 s1, s28;
	s1 =	sshll.u32 s31, $0x7;
	v10 =	vshll.u32 v10, $0x3  }
0x5d: {  	s0 =	sadd.s32 s1, s0;
	v11 =	vor.u32 v0, v10;
	[tilespmem:v9+s19+$0x0] =	vst.idx.msk $0xffff, v8  }
0x5e: {  	v8 =	vld [tilespmem:s0+$0x0];
	v9 =	vor.u32 s31, v11;
	_ =	sdelay $0x4  }
0x5f: {  	[tilespmem:v9+s19+$0x0] =	vst.idx.msk $0xffff, v8;
	v8 =	vor.u32 v7, v10  }
0x60: {  	v9 =	vld [tilespmem:s0+$0x10];
	v8 =	vor.u32 s31, v8;
	_ =	sdelay $0x4  }
0x61: {  	[tilespmem:v8+s19+$0x0] =	vst.idx.msk $0xffff, v9;
	v8 =	vor.u32 v6, v10  }
0x62: {  	v9 =	vld [tilespmem:s0+$0x20];
	v8 =	vor.u32 s31, v8;
	_ =	sdelay $0x4  }
0x63: {  	[tilespmem:v8+s19+$0x0] =	vst.idx.msk $0xffff, v9;
	v8 =	vor.u32 v5, v10  }
0x64: {  	v9 =	vld [tilespmem:s0+$0x30];
	v8 =	vor.u32 s31, v8;
	_ =	sdelay $0x4  }
0x65: {  	[tilespmem:v8+s19+$0x0] =	vst.idx.msk $0xffff, v9;
	v8 =	vor.u32 v4, v10  }
0x66: {  	v9 =	vld [tilespmem:s0+$0x40];
	v8 =	vor.u32 s31, v8;
	_ =	sdelay $0x4  }
0x67: {  	[tilespmem:v8+s19+$0x0] =	vst.idx.msk $0xffff, v9;
	v8 =	vor.u32 v3, v10  }
0x68: {  	v9 =	vld [tilespmem:s0+$0x50];
	v8 =	vor.u32 s31, v8;
	_ =	sdelay $0x4  }
0x69: {  	[tilespmem:v8+s19+$0x0] =	vst.idx.msk $0xffff, v9;
	v8 =	vor.u32 v2, v10  }
0x6a: {  	v9 =	vld [tilespmem:s0+$0x60];
	v8 =	vor.u32 s31, v8;
	_ =	sdelay $0x1  }
.Ltmp0:
0x6b: {  	(pc) =	sbr.rel @p0 .LBB2_3-.Ltmp0, $3  }
0x6c: {  	_ =	sdelay $0x1  }
0x6d: {  	[tilespmem:v8+s19+$0x0] =	vst.idx.msk $0xffff, v9;
	v9 =	vor.u32 v1, v10  }
0x6e: {  	s30 =	sadd.s32 $0x1, s30;
	s1 =	sshll.u32 s29, $0x4;
	v8 =	vld [tilespmem:s0+$0x70];
	v9 =	vor.u32 s31, v9  }
0x6f: {  	s0 =	sand.u32 $0xFFFFFF80, s1  }
0x70: {  	s30 =	sshll.u32 s29, $0x7;
	s0 =	sadd.s32 s26, s0  }
0x71: {  	s31 =	sand.u32 $0x7, s29;
	s1 =	sand.u32 $0x3FFFFC00, s30;
	v10 =	vmov s0  }
0x72: {  	s1 =	sadd.s32 s1, s28;
	s28 =	sshll.u32 s31, $0x7;
	v10 =	vshll.u32 v10, $0x3  }
0x73: {  	s0 =	sadd.s32 s28, s1;
	v11 =	vor.u32 v0, v10;
	[tilespmem:v9+s19+$0x0] =	vst.idx.msk $0xffff, v8  }
0x74: {  	v8 =	vld [tilespmem:s0+$0x0];
	v63 =	vor.u32 s31, v11;
	_ =	sdelay $0x4  }
0x75: {  	[tilespmem:v63+s19+$0x0] =	vst.idx.msk $0xffff, v8;
	v8 =	vor.u32 v7, v10  }
0x76: {  	v9 =	vld [tilespmem:s0+$0x10];
	v8 =	vor.u32 s31, v8;
	_ =	sdelay $0x4  }
0x77: {  	[tilespmem:v8+s19+$0x0] =	vst.idx.msk $0xffff, v9;
	v8 =	vor.u32 v6, v10  }
0x78: {  	v9 =	vld [tilespmem:s0+$0x20];
	v8 =	vor.u32 s31, v8;
	_ =	sdelay $0x4  }
0x79: {  	[tilespmem:v8+s19+$0x0] =	vst.idx.msk $0xffff, v9;
	v8 =	vor.u32 v5, v10  }
0x7a: {  	v9 =	vld [tilespmem:s0+$0x30];
	v8 =	vor.u32 s31, v8;
	_ =	sdelay $0x4  }
0x7b: {  	[tilespmem:v8+s19+$0x0] =	vst.idx.msk $0xffff, v9;
	v8 =	vor.u32 v4, v10  }
0x7c: {  	v9 =	vld [tilespmem:s0+$0x40];
	v8 =	vor.u32 s31, v8;
	_ =	sdelay $0x4  }
0x7d: {  	[tilespmem:v8+s19+$0x0] =	vst.idx.msk $0xffff, v9;
	v8 =	vor.u32 v3, v10  }
0x7e: {  	v9 =	vld [tilespmem:s0+$0x50];
	v8 =	vor.u32 s31, v8;
	_ =	sdelay $0x4  }
0x7f: {  	[tilespmem:v8+s19+$0x0] =	vst.idx.msk $0xffff, v9;
	v8 =	vor.u32 v2, v10  }
0x80: {  	v9 =	vld [tilespmem:s0+$0x60];
	v8 =	vor.u32 s31, v8;
	_ =	sdelay $0x4  }
0x81: {  	[tilespmem:v8+s19+$0x0] =	vst.idx.msk $0xffff, v9;
	v8 =	vor.u32 v1, v10  }
0x82: {  	v9 =	vld [tilespmem:s0+$0x70];
	v8 =	vor.u32 s31, v8;
	_ =	sdelay $0x1  }
0x83: {  	s29 =	smul.u32 $0x1400, s24;
	_ =	sdelay $0x1  }
0x84: {  	s0 =	sshrl.u32 s29, $0x2  }
0x85: {  	s30 =	sadd.s32 $0x12750, s25;
	s31 =	sadd.s32 $0xC350, s0;
	[tilespmem:v8+s19+$0x0] =	vst.idx.msk $0xffff, v9  }
0x86: {  	[spmem:s3] =	stream.indirect.scatter.add.f32 [tilespmem:s30], [sflag:$0x2], $0x8, s31, s20, $0xb8;
	[tilespmem:$0x17750] =	vst v63  }
0x87: {  	s24 =	sadd.s32 $0x12B50, s25;
	s26 =	sadd.s32 $0xC3D0, s0  }
0x88: {  	[spmem:s3] =	stream.indirect.scatter.add.f32 [tilespmem:s24], [sflag:$0x2], $0x8, s26, s20, $0xb8;
	[tilespmem:$0x17750] =	vst v63  }
0x89: {  	s28 =	sadd.s32 $0x12F50, s25;
	s29 =	sadd.s32 $0xC450, s0  }
0x8a: {  	[spmem:s3] =	stream.indirect.scatter.add.f32 [tilespmem:s28], [sflag:$0x2], $0x8, s29, s20, $0xb8;
	[tilespmem:$0x17750] =	vst v63  }
0x8b: {  	s30 =	sadd.s32 $0x13350, s25;
	s31 =	sadd.s32 $0xC4D0, s0  }
0x8c: {  	[spmem:s3] =	stream.indirect.scatter.add.f32 [tilespmem:s30], [sflag:$0x2], $0x8, s31, s20, $0xb8;
	[tilespmem:$0x17750] =	vst v63  }
0x8d: {  	s24 =	sadd.s32 $0x13750, s25;
	s26 =	sadd.s32 $0xC550, s0  }
0x8e: {  	[spmem:s3] =	stream.indirect.scatter.add.f32 [tilespmem:s24], [sflag:$0x2], $0x8, s26, s20, $0xb8;
	[tilespmem:$0x17750] =	vst v63  }
0x8f: {  	s28 =	sadd.s32 $0x13B50, s25;
	s29 =	sadd.s32 $0xC5D0, s0  }
0x90: {  	[spmem:s3] =	stream.indirect.scatter.add.f32 [tilespmem:s28], [sflag:$0x2], $0x8, s29, s20, $0xb8;
	[tilespmem:$0x17750] =	vst v63  }
0x91: {  	s30 =	sadd.s32 $0x13F50, s25;
	s31 =	sadd.s32 $0xC650, s0  }
0x92: {  	[spmem:s3] =	stream.indirect.scatter.add.f32 [tilespmem:s30], [sflag:$0x2], $0x8, s31, s20, $0xb8;
	[tilespmem:$0x17750] =	vst v63  }
0x93: {  	p0 =	sne.s32 s23, s9;
	s26 =	sadd.s32 $0x14350, s25;
	s28 =	sadd.s32 $0xC6D0, s0  }
0x94: {  	[spmem:s3] =	stream.indirect.scatter.add.f32 [tilespmem:s26], [sflag:$0x2], $0x8, s28, s20, $0xb8;
	[tilespmem:$0x17750] =	vst v63  }
.Ltmp1:
0x95: {  	_ = 	snop;
	(pc) =	sbr.rel @p0 .LBB2_2-.Ltmp1, $4  }
0x96: {  	s29 =	sadd.s32 $0x14750, s25;
	s30 =	sadd.s32 $0xC750, s0  }
0x97: {  	[spmem:s3] =	stream.indirect.scatter.add.f32 [tilespmem:s29], [sflag:$0x2], $0x8, s30, s20, $0xb8;
	[tilespmem:$0x17750] =	vst v63  }
0x98: {  	s31 =	sadd.s32 $0x14B50, s25;
	s0 =	sadd.s32 $0xC7D0, s0  }
0x99: {  	[spmem:s3] =	stream.indirect.scatter.add.f32 [tilespmem:s31], [sflag:$0x2], $0x8, s0, s20, $0xb8;
	[tilespmem:$0x17750] =	vst v63  }
0x9a: {  	_ =	swait.ge [sflag:s21], $0x400  }
0x9b: {  	[sflag:s21] =	ssyncset.done $0x0  }
0x9c: {  	[sflag:s21] =	ssyncadd.s32 $0xFFFFFC00  }
0x9d: {  	_ =	swait.ge [sflag:s21], $0x400  }
0x9e: {  	[sflag:s21] =	ssyncset.done $0x0  }
0x9f: {  	[sflag:s21] =	ssyncadd.s32 $0xFFFFFC00  }
0xa0: {  	_ =	swait.ge [sflag:s21], $0x400  }
0xa1: {  	[sflag:s21] =	ssyncset.done $0x0  }
0xa2: {  	[sflag:s21] =	ssyncadd.s32 $0xFFFFFC00  }
0xa3: {  	_ =	swait.ge [sflag:s21], $0x400  }
0xa4: {  	[sflag:s21] =	ssyncset.done $0x0  }
0xa5: {  	[sflag:s21] =	ssyncadd.s32 $0xFFFFFC00  }
0xa6: {  	_ =	swait.ge [sflag:s21], $0x400  }
0xa7: {  	[sflag:s21] =	ssyncset.done $0x0  }
0xa8: {  	[sflag:s21] =	ssyncadd.s32 $0xFFFFFC00  }
0xa9: {  	_ =	swait.ge [sflag:s21], $0x400  }
0xaa: {  	[sflag:s21] =	ssyncset.done $0x0  }
0xab: {  	[sflag:s21] =	ssyncadd.s32 $0xFFFFFC00  }
0xac: {  	_ =	swait.ge [sflag:s21], $0x400  }
0xad: {  	[sflag:s21] =	ssyncset.done $0x0  }
0xae: {  	[sflag:s21] =	ssyncadd.s32 $0xFFFFFC00  }
0xaf: {  	_ =	swait.ge [sflag:s21], $0x400  }
0xb0: {  	[sflag:s21] =	ssyncset.done $0x0  }
0xb1: {  	[sflag:s21] =	ssyncadd.s32 $0xFFFFFC00  }
0xb2: {  	_ =	swait.ge [sflag:s21], $0x400  }
0xb3: {  	[sflag:s21] =	ssyncset.done $0x0  }
0xb4: {  	[sflag:s21] =	ssyncadd.s32 $0xFFFFFC00  }
0xb5: {  	_ =	swait.ge [sflag:s21], $0x400  }
0xb6: {  	[sflag:s21] =	ssyncset.done $0x0  }
0xb7: {  	[sflag:s21] =	ssyncadd.s32 $0xFFFFFC00  }
0xb8: {  	_ =	swait.ge [sflag:s21], $0x400  }
0xb9: {  	[sflag:s21] =	ssyncset.done $0x0  }
0xba: {  	[sflag:s21] =	ssyncadd.s32 $0xFFFFFC00  }
0xbb: {  	_ =	swait.ge [sflag:s21], $0x400  }
0xbc: {  	[sflag:s21] =	ssyncset.done $0x0  }
0xbd: {  	[sflag:s21] =	ssyncadd.s32 $0xFFFFFC00  }
0xbe: {  	_ =	swait.ge [sflag:s21], $0x400  }
0xbf: {  	[sflag:s21] =	ssyncset.done $0x0  }
0xc0: {  	[sflag:s21] =	ssyncadd.s32 $0xFFFFFC00  }
0xc1: {  	_ =	swait.ge [sflag:s21], $0x400  }
0xc2: {  	[sflag:s21] =	ssyncset.done $0x0  }
0xc3: {  	[sflag:s21] =	ssyncadd.s32 $0xFFFFFC00  }
0xc4: {  	_ =	swait.ge [sflag:s21], $0x400  }
0xc5: {  	[sflag:s21] =	ssyncset.done $0x0  }
0xc6: {  	[sflag:s21] =	ssyncadd.s32 $0xFFFFFC00  }
0xc7: {  	_ =	swait.ge [sflag:s21], $0x400  }
0xc8: {  	[sflag:s21] =	ssyncset.done $0x0  }
0xc9: {  	[sflag:s21] =	ssyncadd.s32 $0xFFFFFC00  }
0xca: {  	_ =	swait.ge [sflag:s21], $0x400  }
0xcb: {  	[sflag:s21] =	ssyncset.done $0x0  }
0xcc: {  	[sflag:s21] =	ssyncadd.s32 $0xFFFFFC00  }
0xcd: {  	_ =	swait.ge [sflag:s21], $0x400  }
0xce: {  	[sflag:s21] =	ssyncset.done $0x0  }
0xcf: {  	[sflag:s21] =	ssyncadd.s32 $0xFFFFFC00  }
0xd0: {  	_ =	swait.ge [sflag:s21], $0x400  }
0xd1: {  	[sflag:s21] =	ssyncset.done $0x0  }
0xd2: {  	[sflag:s21] =	ssyncadd.s32 $0xFFFFFC00  }
0xd3: {  	_ =	swait.ge [sflag:s21], $0x400  }
0xd4: {  	s22 =	sadd.s32 $0x1, s22;
	[sflag:s21] =	ssyncset.done $0x0  }
0xd5: {  	p0 =	sne.s32 s22, s13;
	[sflag:s21] =	ssyncadd.s32 $0xFFFFFC00  }
.Ltmp2:
0xd6: {  	[bflag:$0x0] =	sbarrier.arrive $0xFFFF;
	(pc) =	sbr.rel @p0 .LBB2_1-.Ltmp2, $4  }
0xd7: {  	[hbm:s12], [sflag:s8] =	dma.local [spmem:s14], $0x186A  }
0xd8: {  	_ =	swait.ge [sflag:s15], $0x186A  }
0xd9: {  	[sflag:s15] =	ssyncset.done $0x0  }
0xda: {  	[sflag:s15] =	ssyncadd.s32 $0xFFFFE796  }
0xdb: {  	_ =	sfence.sel $0x180000  }
0xdc: {  	[bflag:$0x0] =	sbarrier.arrive $0xFFFF  }
0xdd: {  	_ =	strace $0x90000047  }
0xde: {  	s0 =	stileid.u32;
	[bflag:$0x2] =	sbarrier.arrive $0xFFFF  }
0xdf: {  	p0 =	sne.s32 s0, $0x0;
	s0 =	rddreg [dreg:$0x3]  }
0xe0: {  	s0 =	sadd.s32 @!p0 $0x100000, s0  }
0xe1: {  	[sflag:s0] =	ssyncadd.tile.s32 @!p0 $0x1;
	_ =	shalt  }
.Lfunc_end2:
_tile_overlayer_lowered:
.L_overlay_start_2:
0xe2: {  	(tag) =	ssettag $0x2  }
0xe3: {  	s0 =	rddreg [dreg:$0x0];
	s2 =	stileid.u32  }
0xe4: {  	s1 =	rddreg [dreg:$0x1];
	p0 =	sne.s32 s2, $0x0  }
0xe5: {  	s3 =	rddreg [dreg:$0x2];
	[bflag:$0x3] =	sbarrier.arrive $0xFFFF;
	s2 =	simm.s32 @!p0 $0x1C03  }
0xe6: {  	[timem:s3], [sflag:s2] =	dma.local @!p0 [hbm:s0], s1  }
0xe7: {  	s0 =	simm.s32 @!p0 $0x3  }
0xe8: {  	_ =	swait.ge @!p0 [sflag:s0], s1  }
0xe9: {  	s1 =	ssub.s32 @!p0 $0x0, s1;
	[sflag:s0] =	ssyncset.done @!p0 $0x0  }
0xea: {  	[sflag:s0] =	ssyncadd.s32 @!p0 s1  }
0xeb: {  	[bflag:$0x3] =	sbarrier.arrive $0xFFFF  }
0xec: {  	_ =	shalt  }

</sc_bundles>
